<compile_context>
chip_gen: v7x
topology: tpu7x:2x2x1
jax: 0.10.2.dev20260603
libtpu: 0.0.44.dev20260713+nightly
codegen_flags: <defaults>
</compile_context>

<pallas_src>
import jax
import jax.numpy as jnp
from jax import lax
from jax.experimental import pallas as pl
from jax.experimental.pallas import tpu as pltpu
from jax.experimental.pallas import tpu_sc as plsc

_D = 32
_W = 200
_NC = 2
_NS = 16
_NW = _NC * _NS
_CHUNK = 800
_G = 100
_GPC = _CHUNK // _G
_NB = 4


def _embed_body(table_hbm, idx_hbm, pe_hbm, out_hbm, *refs):
    idx = refs[0:_NB]
    rows = refs[_NB:2 * _NB]
    pe_sh = refs[2 * _NB]
    psem = refs[2 * _NB + 1:3 * _NB + 1]
    gsem = refs[3 * _NB + 1:4 * _NB + 1]
    wsem = refs[4 * _NB + 1:5 * _NB + 1]

    n_total = idx_hbm.shape[0] * idx_hbm.shape[1]
    per_w = n_total // _NW
    n_chunks = per_w // _CHUNK
    wid = lax.axis_index("s") * _NC + lax.axis_index("c")
    base_row = wid * (per_w // _G)

    @pl.when(lax.axis_index("s") == 0)
    def _():
        pltpu.sync_copy(pe_hbm, rows[0])
        pltpu.sync_copy(rows[0], pe_sh)

    plsc.subcore_barrier()

    def stage(j, b):
        pltpu.sync_copy(idx_hbm.at[pl.ds(base_row + j * _GPC, _GPC)], idx[b])
        pltpu.async_copy(pe_sh, rows[b], psem[b])

    def fire(j, b):
        pltpu.make_async_copy(pe_sh, rows[b], psem[b]).wait()
        for g in range(_GPC):
            pltpu.async_copy(
                table_hbm.at[idx[b].at[g]],
                rows[b].at[pl.ds(g * _G, _G)],
                gsem[b],
                add=True,
            )

    def retire(j, b):
        pltpu.make_async_copy(table_hbm.at[pl.ds(0, _CHUNK)], rows[b], gsem[b]).wait()
        pltpu.async_copy(
            rows[b], out_hbm.at[pl.ds(wid * per_w + j * _CHUNK, _CHUNK)], wsem[b])

    def drain_w(b):
        pltpu.make_async_copy(rows[b], out_hbm.at[pl.ds(0, _CHUNK)], wsem[b]).wait()

    stage(0, 0)
    stage(1, 1)

    @pl.loop(0, n_chunks // _NB)
    def _group(q):
        for s in range(_NB):
            j = _NB * q + s
            bp = (s + _NB - 1) % _NB
            bn = (s + 2) % _NB

            fire(j, s)

            @pl.when(j > 0)
            def _():
                retire(j - 1, bp)

            @pl.when(j < n_chunks - 2)
            def _():
                @pl.when(j >= 2)
                def _():
                    drain_w(bn)

                stage(j + 2, bn)

    retire(n_chunks - 1, (n_chunks - 1) % _NB)
    for b in range(_NB):
        drain_w(b)


def _make_sc_call(n_total):
    mesh = plsc.VectorSubcoreMesh(
        core_axis_name="c", subcore_axis_name="s",
        num_cores=_NC, num_subcores=_NS,
    )
    return pl.kernel(
        _embed_body,
        out_type=jax.ShapeDtypeStruct((n_total, _D), jnp.float32),
        mesh=mesh,
        scratch_types=(
            [pltpu.VMEM((_GPC, _G), jnp.int32) for _ in range(_NB)]
            + [pltpu.VMEM((_CHUNK, _D), jnp.float32) for _ in range(_NB)]
            + [pltpu.VMEM_SHARED((_CHUNK, _D), jnp.float32)]
            + [pltpu.SemaphoreType.DMA for _ in range(3 * _NB)]
        ),
        compiler_params=pltpu.CompilerParams(use_tc_tiling_on_sc=False),
    )


def kernel(vector, table, pe):
    b, w = vector.shape
    n_total = b * w
    idx = vector.reshape(n_total // _G, _G).astype(jnp.int32)
    pe_tile = jnp.tile(pe, (_CHUNK // _W, 1))
    out = _make_sc_call(n_total)(table, idx, pe_tile)
    return out.reshape(b, w, _D)

# --- scband reference (transcript-rebuilt; emitter-appended) ---
"""Pipeline reference for scband-custom-embed-3221225472302 (READ-ONLY COPY).

The authoritative reference and input builder live on the scoring server;
editing this copy changes nothing except your own understanding.
"""

import jax, jax.numpy as jnp
import numpy as np

EMBED_DIM = 32
VOCAB_SIZE = 1000000
WINDOW_SIZE = 200
BATCH = 4096


def _make_pe(window_size, embed_dim):
    pe = np.zeros((window_size, embed_dim), dtype=np.float32)
    pos = np.arange(window_size, dtype=np.float32)[:, None]
    i = np.arange(embed_dim // 2, dtype=np.float32)[None, :]
    div = np.power(10000.0, 2.0 * i / embed_dim)
    pe[:, 0::2] = np.sin(pos / div)
    pe[:, 1::2] = np.cos(pos / div)
    return jnp.asarray(pe)


def setup_inputs(seed: int = 0) -> dict:
    key = jax.random.key(seed)
    k1, k2 = jax.random.split(key)
    vector = jax.random.randint(k1, (BATCH, WINDOW_SIZE), 0, VOCAB_SIZE, dtype=jnp.int64 if jax.config.jax_enable_x64 else jnp.int32)
    table = jax.random.normal(k2, (VOCAB_SIZE, EMBED_DIM), dtype=jnp.float32)
    pe = _make_pe(WINDOW_SIZE, EMBED_DIM)
    return {"vector": vector, "table": table, "pe": pe}


def reference(vector, table, pe):
    embed = jnp.take(table, vector, axis=0)  # [B, W, D]
    positional_embed = embed + pe[None, :, :]
    return positional_embed

if __name__ == "__main__":
    import jax
    _d = setup_inputs()
    print(jax.jit(kernel)(*tuple(_d.values())))

</pallas_src>

<mosaic_0001>
#map = affine_map<(d0, d1) -> (0, 0)>
module attributes {stable_mosaic.version = 14 : i64} {
  func.func @_embed_body(%arg0: i32, %arg1: i32, %arg2: memref<1000000x32xf32, #tpu.memory_space<hbm>>, %arg3: memref<8192x100xi32, #tpu.memory_space<hbm>>, %arg4: memref<800x32xf32, #tpu.memory_space<hbm>>, %arg5: memref<819200x32xf32, #tpu.memory_space<hbm>>, %arg6: memref<8x100xi32, #tpu.memory_space<vmem>>, %arg7: memref<8x100xi32, #tpu.memory_space<vmem>>, %arg8: memref<8x100xi32, #tpu.memory_space<vmem>>, %arg9: memref<8x100xi32, #tpu.memory_space<vmem>>, %arg10: memref<800x32xf32, #tpu.memory_space<vmem>>, %arg11: memref<800x32xf32, #tpu.memory_space<vmem>>, %arg12: memref<800x32xf32, #tpu.memory_space<vmem>>, %arg13: memref<800x32xf32, #tpu.memory_space<vmem>>, %arg14: memref<800x32xf32, #tpu.memory_space<vmem_shared>>, %arg15: memref<!tpu.dma_semaphore, #tpu.memory_space<semaphore_mem>>, %arg16: memref<!tpu.dma_semaphore, #tpu.memory_space<semaphore_mem>>, %arg17: memref<!tpu.dma_semaphore, #tpu.memory_space<semaphore_mem>>, %arg18: memref<!tpu.dma_semaphore, #tpu.memory_space<semaphore_mem>>, %arg19: memref<!tpu.dma_semaphore, #tpu.memory_space<semaphore_mem>>, %arg20: memref<!tpu.dma_semaphore, #tpu.memory_space<semaphore_mem>>, %arg21: memref<!tpu.dma_semaphore, #tpu.memory_space<semaphore_mem>>, %arg22: memref<!tpu.dma_semaphore, #tpu.memory_space<semaphore_mem>>, %arg23: memref<!tpu.dma_semaphore, #tpu.memory_space<semaphore_mem>>, %arg24: memref<!tpu.dma_semaphore, #tpu.memory_space<semaphore_mem>>, %arg25: memref<!tpu.dma_semaphore, #tpu.memory_space<semaphore_mem>>, %arg26: memref<!tpu.dma_semaphore, #tpu.memory_space<semaphore_mem>>) attributes {dimension_semantics = [#tpu.dimension_semantics<core_parallel>, #tpu.dimension_semantics<subcore_parallel>], iteration_bounds = array<i64: 2, 16>, scalar_prefetch = 0 : i64, scratch_operands = 21 : i64, tpu.core_type = #tpu.core_type<sc_vector_subcore>, window_params = [{transform_indices = #map}, {transform_indices = #map}, {transform_indices = #map}, {transform_indices = #map}]} {
    %mul3A = arith.constant 2 : i32
    %mul3A_0 = arith.muli %arg1, %mul3A : i32
    %add3A = arith.addi %mul3A_0, %arg0 : i32
    %mul3A_1 = arith.constant 256 : i32
    %mul3A_2 = arith.muli %add3A, %mul3A_1 : i32
    %eq3A = arith.constant 0 : i32
    %eq3A_3 = arith.cmpi eq, %arg1, %eq3A : i32
    %convert_element_type3A = arith.extui %eq3A_3 : i1 to i32
    %cond3A = arith.constant 0 : i32
    %cond3A_4 = arith.cmpi ne, %convert_element_type3A, %cond3A : i32
    scf.if %cond3A_4 {
      "tpu.region"() ({
        %run_scoped3A = tpu.sem_alloc : memref<!tpu.dma_semaphore, #tpu.memory_space<semaphore_mem>>
        tpu.enqueue_dma source(%arg4 : memref<800x32xf32, #tpu.memory_space<hbm>>) target(%arg10 : memref<800x32xf32, #tpu.memory_space<vmem>>) target_semaphore(%run_scoped3A : memref<!tpu.dma_semaphore, #tpu.memory_space<semaphore_mem>>)
        tpu.wait_dma2 semaphore(%run_scoped3A : memref<!tpu.dma_semaphore, #tpu.memory_space<semaphore_mem>>) src(%arg4 : memref<800x32xf32, #tpu.memory_space<hbm>>) dst(%arg10 : memref<800x32xf32, #tpu.memory_space<vmem>>)
        tpu.yield
      }) : () -> ()
      "tpu.region"() ({
        %run_scoped3A = tpu.sem_alloc : memref<!tpu.dma_semaphore, #tpu.memory_space<semaphore_mem>>
        tpu.enqueue_dma source(%arg10 : memref<800x32xf32, #tpu.memory_space<vmem>>) target(%arg14 : memref<800x32xf32, #tpu.memory_space<vmem_shared>>) target_semaphore(%run_scoped3A : memref<!tpu.dma_semaphore, #tpu.memory_space<semaphore_mem>>)
        tpu.wait_dma2 semaphore(%run_scoped3A : memref<!tpu.dma_semaphore, #tpu.memory_space<semaphore_mem>>) src(%arg10 : memref<800x32xf32, #tpu.memory_space<vmem>>) dst(%arg14 : memref<800x32xf32, #tpu.memory_space<vmem_shared>>)
        tpu.yield
      }) : () -> ()
    } else {
    }
    %barrier3A = arith.constant 0 : index
    tpu.barrier barrier_id(%barrier3A)
    %add3A_5 = arith.constant 0 : i32
    %add3A_6 = arith.addi %mul3A_2, %add3A_5 : i32
    "tpu.region"() ({
      %run_scoped3A = tpu.sem_alloc : memref<!tpu.dma_semaphore, #tpu.memory_space<semaphore_mem>>
      %dma_start3A_49 = arith.constant 0 : i32
      %dma_start3A_50 = tpu.memref_slice %arg3[%add3A_6, %dma_start3A_49] : memref<8192x100xi32, #tpu.memory_space<hbm>> -> memref<8x100xi32, #tpu.memory_space<hbm>>
      %dma_start3A_51 = arith.constant 0 : i32
      %dma_start3A_52 = tpu.memref_slice %arg3[%add3A_6, %dma_start3A_51] : memref<8192x100xi32, #tpu.memory_space<hbm>> -> memref<8x100xi32, #tpu.memory_space<hbm>>
      tpu.enqueue_dma source(%dma_start3A_52 : memref<8x100xi32, #tpu.memory_space<hbm>>) target(%arg6 : memref<8x100xi32, #tpu.memory_space<vmem>>) target_semaphore(%run_scoped3A : memref<!tpu.dma_semaphore, #tpu.memory_space<semaphore_mem>>)
      %dma_wait3A_53 = arith.constant 0 : i32
      %dma_wait3A_54 = tpu.memref_slice %arg3[%add3A_6, %dma_wait3A_53] : memref<8192x100xi32, #tpu.memory_space<hbm>> -> memref<8x100xi32, #tpu.memory_space<hbm>>
      %dma_wait3A_55 = arith.constant 0 : i32
      %dma_wait3A_56 = tpu.memref_slice %arg3[%add3A_6, %dma_wait3A_55] : memref<8192x100xi32, #tpu.memory_space<hbm>> -> memref<8x100xi32, #tpu.memory_space<hbm>>
      tpu.wait_dma2 semaphore(%run_scoped3A : memref<!tpu.dma_semaphore, #tpu.memory_space<semaphore_mem>>) src(%dma_wait3A_56 : memref<8x100xi32, #tpu.memory_space<hbm>>) dst(%arg6 : memref<8x100xi32, #tpu.memory_space<vmem>>)
      tpu.yield
    }) : () -> ()
    tpu.enqueue_dma source(%arg14 : memref<800x32xf32, #tpu.memory_space<vmem_shared>>) target(%arg10 : memref<800x32xf32, #tpu.memory_space<vmem>>) target_semaphore(%arg15 : memref<!tpu.dma_semaphore, #tpu.memory_space<semaphore_mem>>)
    %add3A_7 = arith.constant 8 : i32
    %add3A_8 = arith.addi %mul3A_2, %add3A_7 : i32
    "tpu.region"() ({
      %run_scoped3A = tpu.sem_alloc : memref<!tpu.dma_semaphore, #tpu.memory_space<semaphore_mem>>
      %dma_start3A_49 = arith.constant 0 : i32
      %dma_start3A_50 = tpu.memref_slice %arg3[%add3A_8, %dma_start3A_49] : memref<8192x100xi32, #tpu.memory_space<hbm>> -> memref<8x100xi32, #tpu.memory_space<hbm>>
      %dma_start3A_51 = arith.constant 0 : i32
      %dma_start3A_52 = tpu.memref_slice %arg3[%add3A_8, %dma_start3A_51] : memref<8192x100xi32, #tpu.memory_space<hbm>> -> memref<8x100xi32, #tpu.memory_space<hbm>>
      tpu.enqueue_dma source(%dma_start3A_52 : memref<8x100xi32, #tpu.memory_space<hbm>>) target(%arg7 : memref<8x100xi32, #tpu.memory_space<vmem>>) target_semaphore(%run_scoped3A : memref<!tpu.dma_semaphore, #tpu.memory_space<semaphore_mem>>)
      %dma_wait3A_53 = arith.constant 0 : i32
      %dma_wait3A_54 = tpu.memref_slice %arg3[%add3A_8, %dma_wait3A_53] : memref<8192x100xi32, #tpu.memory_space<hbm>> -> memref<8x100xi32, #tpu.memory_space<hbm>>
      %dma_wait3A_55 = arith.constant 0 : i32
      %dma_wait3A_56 = tpu.memref_slice %arg3[%add3A_8, %dma_wait3A_55] : memref<8192x100xi32, #tpu.memory_space<hbm>> -> memref<8x100xi32, #tpu.memory_space<hbm>>
      tpu.wait_dma2 semaphore(%run_scoped3A : memref<!tpu.dma_semaphore, #tpu.memory_space<semaphore_mem>>) src(%dma_wait3A_56 : memref<8x100xi32, #tpu.memory_space<hbm>>) dst(%arg7 : memref<8x100xi32, #tpu.memory_space<vmem>>)
      tpu.yield
    }) : () -> ()
    tpu.enqueue_dma source(%arg14 : memref<800x32xf32, #tpu.memory_space<vmem_shared>>) target(%arg11 : memref<800x32xf32, #tpu.memory_space<vmem>>) target_semaphore(%arg16 : memref<!tpu.dma_semaphore, #tpu.memory_space<semaphore_mem>>)
    %scan3A = arith.constant 0 : i32
    %scan3A_9 = arith.constant 8 : i32
    %scan3A_10 = arith.addi %scan3A, %scan3A_9 : i32
    %scan3A_11 = arith.constant 1 : i32
    scf.for %scan3A_49 = %scan3A to %scan3A_10 step %scan3A_11  : i32 {
      %mul3A_50 = arith.constant 1 : i32
      %mul3A_51 = arith.muli %scan3A_49, %mul3A_50 : i32
      %add3A_52 = arith.constant 0 : i32
      %add3A_53 = arith.addi %add3A_52, %mul3A_51 : i32
      %mul3A_54 = arith.constant 4 : i32
      %mul3A_55 = arith.muli %mul3A_54, %add3A_53 : i32
      %add3A_56 = arith.constant 0 : i32
      %add3A_57 = arith.addi %mul3A_55, %add3A_56 : i32
      tpu.wait_dma2 semaphore(%arg15 : memref<!tpu.dma_semaphore, #tpu.memory_space<semaphore_mem>>) src(%arg14 : memref<800x32xf32, #tpu.memory_space<vmem_shared>>) dst(%arg10 : memref<800x32xf32, #tpu.memory_space<vmem>>)
      %dma_start3A_58 = arith.constant 0 : i32
      %dma_start3A_59 = arith.constant 0 : i32
      %dma_start3A_60 = arith.constant 0 : i32
      %dma_start3A_61 = tpu.memref_slice %arg10[%dma_start3A_59, %dma_start3A_60] : memref<800x32xf32, #tpu.memory_space<vmem>> -> memref<100x32xf32, #tpu.memory_space<vmem>>
      %dma_start3A_62 = arith.constant 0 : i32
      %dma_start3A_63 = tpu.memref_slice %arg6[%dma_start3A_58, %dma_start3A_62] : memref<8x100xi32, #tpu.memory_space<vmem>> -> memref<1x100xi32, #tpu.memory_space<vmem>>
      %dma_start3A_64 = tpu.memref_squeeze %dma_start3A_63 : memref<1x100xi32, #tpu.memory_space<vmem>> -> memref<100xi32, #tpu.memory_space<vmem>>
      %dma_start3A_65 = arith.constant 0 : i32
      %dma_start3A_66 = arith.constant 0 : i32
      %dma_start3A_67 = tpu.memref_slice %arg2[%dma_start3A_65, %dma_start3A_66] : memref<1000000x32xf32, #tpu.memory_space<hbm>> -> memref<1000000x32xf32, #tpu.memory_space<hbm>>
      tpu.enqueue_indirect_dma source(%dma_start3A_67 : memref<1000000x32xf32, #tpu.memory_space<hbm>>) target(%dma_start3A_61 : memref<100x32xf32, #tpu.memory_space<vmem>>) offsets(%dma_start3A_64 : memref<100xi32, #tpu.memory_space<vmem>>) semaphore(%arg19 : memref<!tpu.dma_semaphore, #tpu.memory_space<semaphore_mem>>) {add = true}
      %dma_start3A_68 = arith.constant 1 : i32
      %dma_start3A_69 = arith.constant 100 : i32
      %dma_start3A_70 = arith.constant 0 : i32
      %dma_start3A_71 = tpu.memref_slice %arg10[%dma_start3A_69, %dma_start3A_70] : memref<800x32xf32, #tpu.memory_space<vmem>> -> memref<100x32xf32, #tpu.memory_space<vmem>>
      %dma_start3A_72 = arith.constant 0 : i32
      %dma_start3A_73 = tpu.memref_slice %arg6[%dma_start3A_68, %dma_start3A_72] : memref<8x100xi32, #tpu.memory_space<vmem>> -> memref<1x100xi32, #tpu.memory_space<vmem>>
      %dma_start3A_74 = tpu.memref_squeeze %dma_start3A_73 : memref<1x100xi32, #tpu.memory_space<vmem>> -> memref<100xi32, #tpu.memory_space<vmem>>
      %dma_start3A_75 = arith.constant 0 : i32
      %dma_start3A_76 = arith.constant 0 : i32
      %dma_start3A_77 = tpu.memref_slice %arg2[%dma_start3A_75, %dma_start3A_76] : memref<1000000x32xf32, #tpu.memory_space<hbm>> -> memref<1000000x32xf32, #tpu.memory_space<hbm>>
      tpu.enqueue_indirect_dma source(%dma_start3A_77 : memref<1000000x32xf32, #tpu.memory_space<hbm>>) target(%dma_start3A_71 : memref<100x32xf32, #tpu.memory_space<vmem>>) offsets(%dma_start3A_74 : memref<100xi32, #tpu.memory_space<vmem>>) semaphore(%arg19 : memref<!tpu.dma_semaphore, #tpu.memory_space<semaphore_mem>>) {add = true}
      %dma_start3A_78 = arith.constant 2 : i32
      %dma_start3A_79 = arith.constant 200 : i32
      %dma_start3A_80 = arith.constant 0 : i32
      %dma_start3A_81 = tpu.memref_slice %arg10[%dma_start3A_79, %dma_start3A_80] : memref<800x32xf32, #tpu.memory_space<vmem>> -> memref<100x32xf32, #tpu.memory_space<vmem>>
      %dma_start3A_82 = arith.constant 0 : i32
      %dma_start3A_83 = tpu.memref_slice %arg6[%dma_start3A_78, %dma_start3A_82] : memref<8x100xi32, #tpu.memory_space<vmem>> -> memref<1x100xi32, #tpu.memory_space<vmem>>
      %dma_start3A_84 = tpu.memref_squeeze %dma_start3A_83 : memref<1x100xi32, #tpu.memory_space<vmem>> -> memref<100xi32, #tpu.memory_space<vmem>>
      %dma_start3A_85 = arith.constant 0 : i32
      %dma_start3A_86 = arith.constant 0 : i32
      %dma_start3A_87 = tpu.memref_slice %arg2[%dma_start3A_85, %dma_start3A_86] : memref<1000000x32xf32, #tpu.memory_space<hbm>> -> memref<1000000x32xf32, #tpu.memory_space<hbm>>
      tpu.enqueue_indirect_dma source(%dma_start3A_87 : memref<1000000x32xf32, #tpu.memory_space<hbm>>) target(%dma_start3A_81 : memref<100x32xf32, #tpu.memory_space<vmem>>) offsets(%dma_start3A_84 : memref<100xi32, #tpu.memory_space<vmem>>) semaphore(%arg19 : memref<!tpu.dma_semaphore, #tpu.memory_space<semaphore_mem>>) {add = true}
      %dma_start3A_88 = arith.constant 3 : i32
      %dma_start3A_89 = arith.constant 300 : i32
      %dma_start3A_90 = arith.constant 0 : i32
      %dma_start3A_91 = tpu.memref_slice %arg10[%dma_start3A_89, %dma_start3A_90] : memref<800x32xf32, #tpu.memory_space<vmem>> -> memref<100x32xf32, #tpu.memory_space<vmem>>
      %dma_start3A_92 = arith.constant 0 : i32
      %dma_start3A_93 = tpu.memref_slice %arg6[%dma_start3A_88, %dma_start3A_92] : memref<8x100xi32, #tpu.memory_space<vmem>> -> memref<1x100xi32, #tpu.memory_space<vmem>>
      %dma_start3A_94 = tpu.memref_squeeze %dma_start3A_93 : memref<1x100xi32, #tpu.memory_space<vmem>> -> memref<100xi32, #tpu.memory_space<vmem>>
      %dma_start3A_95 = arith.constant 0 : i32
      %dma_start3A_96 = arith.constant 0 : i32
      %dma_start3A_97 = tpu.memref_slice %arg2[%dma_start3A_95, %dma_start3A_96] : memref<1000000x32xf32, #tpu.memory_space<hbm>> -> memref<1000000x32xf32, #tpu.memory_space<hbm>>
      tpu.enqueue_indirect_dma source(%dma_start3A_97 : memref<1000000x32xf32, #tpu.memory_space<hbm>>) target(%dma_start3A_91 : memref<100x32xf32, #tpu.memory_space<vmem>>) offsets(%dma_start3A_94 : memref<100xi32, #tpu.memory_space<vmem>>) semaphore(%arg19 : memref<!tpu.dma_semaphore, #tpu.memory_space<semaphore_mem>>) {add = true}
      %dma_start3A_98 = arith.constant 4 : i32
      %dma_start3A_99 = arith.constant 400 : i32
      %dma_start3A_100 = arith.constant 0 : i32
      %dma_start3A_101 = tpu.memref_slice %arg10[%dma_start3A_99, %dma_start3A_100] : memref<800x32xf32, #tpu.memory_space<vmem>> -> memref<100x32xf32, #tpu.memory_space<vmem>>
      %dma_start3A_102 = arith.constant 0 : i32
      %dma_start3A_103 = tpu.memref_slice %arg6[%dma_start3A_98, %dma_start3A_102] : memref<8x100xi32, #tpu.memory_space<vmem>> -> memref<1x100xi32, #tpu.memory_space<vmem>>
      %dma_start3A_104 = tpu.memref_squeeze %dma_start3A_103 : memref<1x100xi32, #tpu.memory_space<vmem>> -> memref<100xi32, #tpu.memory_space<vmem>>
      %dma_start3A_105 = arith.constant 0 : i32
      %dma_start3A_106 = arith.constant 0 : i32
      %dma_start3A_107 = tpu.memref_slice %arg2[%dma_start3A_105, %dma_start3A_106] : memref<1000000x32xf32, #tpu.memory_space<hbm>> -> memref<1000000x32xf32, #tpu.memory_space<hbm>>
      tpu.enqueue_indirect_dma source(%dma_start3A_107 : memref<1000000x32xf32, #tpu.memory_space<hbm>>) target(%dma_start3A_101 : memref<100x32xf32, #tpu.memory_space<vmem>>) offsets(%dma_start3A_104 : memref<100xi32, #tpu.memory_space<vmem>>) semaphore(%arg19 : memref<!tpu.dma_semaphore, #tpu.memory_space<semaphore_mem>>) {add = true}
      %dma_start3A_108 = arith.constant 5 : i32
      %dma_start3A_109 = arith.constant 500 : i32
      %dma_start3A_110 = arith.constant 0 : i32
      %dma_start3A_111 = tpu.memref_slice %arg10[%dma_start3A_109, %dma_start3A_110] : memref<800x32xf32, #tpu.memory_space<vmem>> -> memref<100x32xf32, #tpu.memory_space<vmem>>
      %dma_start3A_112 = arith.constant 0 : i32
      %dma_start3A_113 = tpu.memref_slice %arg6[%dma_start3A_108, %dma_start3A_112] : memref<8x100xi32, #tpu.memory_space<vmem>> -> memref<1x100xi32, #tpu.memory_space<vmem>>
      %dma_start3A_114 = tpu.memref_squeeze %dma_start3A_113 : memref<1x100xi32, #tpu.memory_space<vmem>> -> memref<100xi32, #tpu.memory_space<vmem>>
      %dma_start3A_115 = arith.constant 0 : i32
      %dma_start3A_116 = arith.constant 0 : i32
      %dma_start3A_117 = tpu.memref_slice %arg2[%dma_start3A_115, %dma_start3A_116] : memref<1000000x32xf32, #tpu.memory_space<hbm>> -> memref<1000000x32xf32, #tpu.memory_space<hbm>>
      tpu.enqueue_indirect_dma source(%dma_start3A_117 : memref<1000000x32xf32, #tpu.memory_space<hbm>>) target(%dma_start3A_111 : memref<100x32xf32, #tpu.memory_space<vmem>>) offsets(%dma_start3A_114 : memref<100xi32, #tpu.memory_space<vmem>>) semaphore(%arg19 : memref<!tpu.dma_semaphore, #tpu.memory_space<semaphore_mem>>) {add = true}
      %dma_start3A_118 = arith.constant 6 : i32
      %dma_start3A_119 = arith.constant 600 : i32
      %dma_start3A_120 = arith.constant 0 : i32
      %dma_start3A_121 = tpu.memref_slice %arg10[%dma_start3A_119, %dma_start3A_120] : memref<800x32xf32, #tpu.memory_space<vmem>> -> memref<100x32xf32, #tpu.memory_space<vmem>>
      %dma_start3A_122 = arith.constant 0 : i32
      %dma_start3A_123 = tpu.memref_slice %arg6[%dma_start3A_118, %dma_start3A_122] : memref<8x100xi32, #tpu.memory_space<vmem>> -> memref<1x100xi32, #tpu.memory_space<vmem>>
      %dma_start3A_124 = tpu.memref_squeeze %dma_start3A_123 : memref<1x100xi32, #tpu.memory_space<vmem>> -> memref<100xi32, #tpu.memory_space<vmem>>
      %dma_start3A_125 = arith.constant 0 : i32
      %dma_start3A_126 = arith.constant 0 : i32
      %dma_start3A_127 = tpu.memref_slice %arg2[%dma_start3A_125, %dma_start3A_126] : memref<1000000x32xf32, #tpu.memory_space<hbm>> -> memref<1000000x32xf32, #tpu.memory_space<hbm>>
      tpu.enqueue_indirect_dma source(%dma_start3A_127 : memref<1000000x32xf32, #tpu.memory_space<hbm>>) target(%dma_start3A_121 : memref<100x32xf32, #tpu.memory_space<vmem>>) offsets(%dma_start3A_124 : memref<100xi32, #tpu.memory_space<vmem>>) semaphore(%arg19 : memref<!tpu.dma_semaphore, #tpu.memory_space<semaphore_mem>>) {add = true}
      %dma_start3A_128 = arith.constant 7 : i32
      %dma_start3A_129 = arith.constant 700 : i32
      %dma_start3A_130 = arith.constant 0 : i32
      %dma_start3A_131 = tpu.memref_slice %arg10[%dma_start3A_129, %dma_start3A_130] : memref<800x32xf32, #tpu.memory_space<vmem>> -> memref<100x32xf32, #tpu.memory_space<vmem>>
      %dma_start3A_132 = arith.constant 0 : i32
      %dma_start3A_133 = tpu.memref_slice %arg6[%dma_start3A_128, %dma_start3A_132] : memref<8x100xi32, #tpu.memory_space<vmem>> -> memref<1x100xi32, #tpu.memory_space<vmem>>
      %dma_start3A_134 = tpu.memref_squeeze %dma_start3A_133 : memref<1x100xi32, #tpu.memory_space<vmem>> -> memref<100xi32, #tpu.memory_space<vmem>>
      %dma_start3A_135 = arith.constant 0 : i32
      %dma_start3A_136 = arith.constant 0 : i32
      %dma_start3A_137 = tpu.memref_slice %arg2[%dma_start3A_135, %dma_start3A_136] : memref<1000000x32xf32, #tpu.memory_space<hbm>> -> memref<1000000x32xf32, #tpu.memory_space<hbm>>
      tpu.enqueue_indirect_dma source(%dma_start3A_137 : memref<1000000x32xf32, #tpu.memory_space<hbm>>) target(%dma_start3A_131 : memref<100x32xf32, #tpu.memory_space<vmem>>) offsets(%dma_start3A_134 : memref<100xi32, #tpu.memory_space<vmem>>) semaphore(%arg19 : memref<!tpu.dma_semaphore, #tpu.memory_space<semaphore_mem>>) {add = true}
      %gt3A = arith.constant 0 : i32
      %gt3A_138 = arith.cmpi sgt, %add3A_57, %gt3A : i32
      %convert_element_type3A_139 = arith.extui %gt3A_138 : i1 to i32
      %cond3A_140 = arith.constant 0 : i32
      %cond3A_141 = arith.cmpi ne, %convert_element_type3A_139, %cond3A_140 : i32
      scf.if %cond3A_141 {
        %sub3A = arith.constant 1 : i32
        %sub3A_428 = arith.subi %add3A_57, %sub3A : i32
        %dma_wait3A_429 = arith.constant 0 : i32
        %dma_wait3A_430 = arith.constant 0 : i32
        %dma_wait3A_431 = tpu.memref_slice %arg2[%dma_wait3A_429, %dma_wait3A_430] : memref<1000000x32xf32, #tpu.memory_space<hbm>> -> memref<800x32xf32, #tpu.memory_space<hbm>>
        %dma_wait3A_432 = arith.constant 0 : i32
        %dma_wait3A_433 = arith.constant 0 : i32
        %dma_wait3A_434 = tpu.memref_slice %arg2[%dma_wait3A_432, %dma_wait3A_433] : memref<1000000x32xf32, #tpu.memory_space<hbm>> -> memref<800x32xf32, #tpu.memory_space<hbm>>
        tpu.wait_dma2 semaphore(%arg22 : memref<!tpu.dma_semaphore, #tpu.memory_space<semaphore_mem>>) src(%dma_wait3A_434 : memref<800x32xf32, #tpu.memory_space<hbm>>) dst(%arg13 : memref<800x32xf32, #tpu.memory_space<vmem>>)
        %mul3A_435 = arith.constant 25600 : i32
        %mul3A_436 = arith.muli %add3A, %mul3A_435 : i32
        %mul3A_437 = arith.constant 800 : i32
        %mul3A_438 = arith.muli %sub3A_428, %mul3A_437 : i32
        %add3A_439 = arith.addi %mul3A_436, %mul3A_438 : i32
        %dma_start3A_440 = arith.constant 0 : i32
        %dma_start3A_441 = tpu.memref_slice %arg5[%add3A_439, %dma_start3A_440] : memref<819200x32xf32, #tpu.memory_space<hbm>> -> memref<800x32xf32, #tpu.memory_space<hbm>>
        %dma_start3A_442 = arith.constant 0 : i32
        %dma_start3A_443 = tpu.memref_slice %arg5[%add3A_439, %dma_start3A_442] : memref<819200x32xf32, #tpu.memory_space<hbm>> -> memref<800x32xf32, #tpu.memory_space<hbm>>
        tpu.enqueue_dma source(%arg13 : memref<800x32xf32, #tpu.memory_space<vmem>>) target(%dma_start3A_443 : memref<800x32xf32, #tpu.memory_space<hbm>>) target_semaphore(%arg26 : memref<!tpu.dma_semaphore, #tpu.memory_space<semaphore_mem>>)
      } else {
      }
      %lt3A = arith.constant 30 : i32
      %lt3A_142 = arith.cmpi slt, %add3A_57, %lt3A : i32
      %convert_element_type3A_143 = arith.extui %lt3A_142 : i1 to i32
      %cond3A_144 = arith.constant 0 : i32
      %cond3A_145 = arith.cmpi ne, %convert_element_type3A_143, %cond3A_144 : i32
      scf.if %cond3A_145 {
        %ge3A = arith.constant 2 : i32
        %ge3A_428 = arith.cmpi sge, %add3A_57, %ge3A : i32
        %convert_element_type3A_429 = arith.extui %ge3A_428 : i1 to i32
        %cond3A_430 = arith.constant 0 : i32
        %cond3A_431 = arith.cmpi ne, %convert_element_type3A_429, %cond3A_430 : i32
        scf.if %cond3A_431 {
          %dma_wait3A_437 = arith.constant 0 : i32
          %dma_wait3A_438 = arith.constant 0 : i32
          %dma_wait3A_439 = tpu.memref_slice %arg5[%dma_wait3A_437, %dma_wait3A_438] : memref<819200x32xf32, #tpu.memory_space<hbm>> -> memref<800x32xf32, #tpu.memory_space<hbm>>
          %dma_wait3A_440 = arith.constant 0 : i32
          %dma_wait3A_441 = arith.constant 0 : i32
          %dma_wait3A_442 = tpu.memref_slice %arg5[%dma_wait3A_440, %dma_wait3A_441] : memref<819200x32xf32, #tpu.memory_space<hbm>> -> memref<800x32xf32, #tpu.memory_space<hbm>>
          tpu.wait_dma2 semaphore(%arg25 : memref<!tpu.dma_semaphore, #tpu.memory_space<semaphore_mem>>) src(%arg12 : memref<800x32xf32, #tpu.memory_space<vmem>>) dst(%dma_wait3A_442 : memref<800x32xf32, #tpu.memory_space<hbm>>)
        } else {
        }
        %add3A_432 = arith.constant 2 : i32
        %add3A_433 = arith.addi %add3A_57, %add3A_432 : i32
        %mul3A_434 = arith.constant 8 : i32
        %mul3A_435 = arith.muli %add3A_433, %mul3A_434 : i32
        %add3A_436 = arith.addi %mul3A_2, %mul3A_435 : i32
        "tpu.region"() ({
          %run_scoped3A = tpu.sem_alloc : memref<!tpu.dma_semaphore, #tpu.memory_space<semaphore_mem>>
          %dma_start3A_437 = arith.constant 0 : i32
          %dma_start3A_438 = tpu.memref_slice %arg3[%add3A_436, %dma_start3A_437] : memref<8192x100xi32, #tpu.memory_space<hbm>> -> memref<8x100xi32, #tpu.memory_space<hbm>>
          %dma_start3A_439 = arith.constant 0 : i32
          %dma_start3A_440 = tpu.memref_slice %arg3[%add3A_436, %dma_start3A_439] : memref<8192x100xi32, #tpu.memory_space<hbm>> -> memref<8x100xi32, #tpu.memory_space<hbm>>
          tpu.enqueue_dma source(%dma_start3A_440 : memref<8x100xi32, #tpu.memory_space<hbm>>) target(%arg8 : memref<8x100xi32, #tpu.memory_space<vmem>>) target_semaphore(%run_scoped3A : memref<!tpu.dma_semaphore, #tpu.memory_space<semaphore_mem>>)
          %dma_wait3A_441 = arith.constant 0 : i32
          %dma_wait3A_442 = tpu.memref_slice %arg3[%add3A_436, %dma_wait3A_441] : memref<8192x100xi32, #tpu.memory_space<hbm>> -> memref<8x100xi32, #tpu.memory_space<hbm>>
          %dma_wait3A_443 = arith.constant 0 : i32
          %dma_wait3A_444 = tpu.memref_slice %arg3[%add3A_436, %dma_wait3A_443] : memref<8192x100xi32, #tpu.memory_space<hbm>> -> memref<8x100xi32, #tpu.memory_space<hbm>>
          tpu.wait_dma2 semaphore(%run_scoped3A : memref<!tpu.dma_semaphore, #tpu.memory_space<semaphore_mem>>) src(%dma_wait3A_444 : memref<8x100xi32, #tpu.memory_space<hbm>>) dst(%arg8 : memref<8x100xi32, #tpu.memory_space<vmem>>)
          tpu.yield
        }) : () -> ()
        tpu.enqueue_dma source(%arg14 : memref<800x32xf32, #tpu.memory_space<vmem_shared>>) target(%arg12 : memref<800x32xf32, #tpu.memory_space<vmem>>) target_semaphore(%arg17 : memref<!tpu.dma_semaphore, #tpu.memory_space<semaphore_mem>>)
      } else {
      }
      %mul3A_146 = arith.constant 4 : i32
      %mul3A_147 = arith.muli %mul3A_146, %add3A_53 : i32
      %add3A_148 = arith.constant 1 : i32
      %add3A_149 = arith.addi %mul3A_147, %add3A_148 : i32
      tpu.wait_dma2 semaphore(%arg16 : memref<!tpu.dma_semaphore, #tpu.memory_space<semaphore_mem>>) src(%arg14 : memref<800x32xf32, #tpu.memory_space<vmem_shared>>) dst(%arg11 : memref<800x32xf32, #tpu.memory_space<vmem>>)
      %dma_start3A_150 = arith.constant 0 : i32
      %dma_start3A_151 = arith.constant 0 : i32
      %dma_start3A_152 = arith.constant 0 : i32
      %dma_start3A_153 = tpu.memref_slice %arg11[%dma_start3A_151, %dma_start3A_152] : memref<800x32xf32, #tpu.memory_space<vmem>> -> memref<100x32xf32, #tpu.memory_space<vmem>>
      %dma_start3A_154 = arith.constant 0 : i32
      %dma_start3A_155 = tpu.memref_slice %arg7[%dma_start3A_150, %dma_start3A_154] : memref<8x100xi32, #tpu.memory_space<vmem>> -> memref<1x100xi32, #tpu.memory_space<vmem>>
      %dma_start3A_156 = tpu.memref_squeeze %dma_start3A_155 : memref<1x100xi32, #tpu.memory_space<vmem>> -> memref<100xi32, #tpu.memory_space<vmem>>
      %dma_start3A_157 = arith.constant 0 : i32
      %dma_start3A_158 = arith.constant 0 : i32
      %dma_start3A_159 = tpu.memref_slice %arg2[%dma_start3A_157, %dma_start3A_158] : memref<1000000x32xf32, #tpu.memory_space<hbm>> -> memref<1000000x32xf32, #tpu.memory_space<hbm>>
      tpu.enqueue_indirect_dma source(%dma_start3A_159 : memref<1000000x32xf32, #tpu.memory_space<hbm>>) target(%dma_start3A_153 : memref<100x32xf32, #tpu.memory_space<vmem>>) offsets(%dma_start3A_156 : memref<100xi32, #tpu.memory_space<vmem>>) semaphore(%arg20 : memref<!tpu.dma_semaphore, #tpu.memory_space<semaphore_mem>>) {add = true}
      %dma_start3A_160 = arith.constant 1 : i32
      %dma_start3A_161 = arith.constant 100 : i32
      %dma_start3A_162 = arith.constant 0 : i32
      %dma_start3A_163 = tpu.memref_slice %arg11[%dma_start3A_161, %dma_start3A_162] : memref<800x32xf32, #tpu.memory_space<vmem>> -> memref<100x32xf32, #tpu.memory_space<vmem>>
      %dma_start3A_164 = arith.constant 0 : i32
      %dma_start3A_165 = tpu.memref_slice %arg7[%dma_start3A_160, %dma_start3A_164] : memref<8x100xi32, #tpu.memory_space<vmem>> -> memref<1x100xi32, #tpu.memory_space<vmem>>
      %dma_start3A_166 = tpu.memref_squeeze %dma_start3A_165 : memref<1x100xi32, #tpu.memory_space<vmem>> -> memref<100xi32, #tpu.memory_space<vmem>>
      %dma_start3A_167 = arith.constant 0 : i32
      %dma_start3A_168 = arith.constant 0 : i32
      %dma_start3A_169 = tpu.memref_slice %arg2[%dma_start3A_167, %dma_start3A_168] : memref<1000000x32xf32, #tpu.memory_space<hbm>> -> memref<1000000x32xf32, #tpu.memory_space<hbm>>
      tpu.enqueue_indirect_dma source(%dma_start3A_169 : memref<1000000x32xf32, #tpu.memory_space<hbm>>) target(%dma_start3A_163 : memref<100x32xf32, #tpu.memory_space<vmem>>) offsets(%dma_start3A_166 : memref<100xi32, #tpu.memory_space<vmem>>) semaphore(%arg20 : memref<!tpu.dma_semaphore, #tpu.memory_space<semaphore_mem>>) {add = true}
      %dma_start3A_170 = arith.constant 2 : i32
      %dma_start3A_171 = arith.constant 200 : i32
      %dma_start3A_172 = arith.constant 0 : i32
      %dma_start3A_173 = tpu.memref_slice %arg11[%dma_start3A_171, %dma_start3A_172] : memref<800x32xf32, #tpu.memory_space<vmem>> -> memref<100x32xf32, #tpu.memory_space<vmem>>
      %dma_start3A_174 = arith.constant 0 : i32
      %dma_start3A_175 = tpu.memref_slice %arg7[%dma_start3A_170, %dma_start3A_174] : memref<8x100xi32, #tpu.memory_space<vmem>> -> memref<1x100xi32, #tpu.memory_space<vmem>>
      %dma_start3A_176 = tpu.memref_squeeze %dma_start3A_175 : memref<1x100xi32, #tpu.memory_space<vmem>> -> memref<100xi32, #tpu.memory_space<vmem>>
      %dma_start3A_177 = arith.constant 0 : i32
      %dma_start3A_178 = arith.constant 0 : i32
      %dma_start3A_179 = tpu.memref_slice %arg2[%dma_start3A_177, %dma_start3A_178] : memref<1000000x32xf32, #tpu.memory_space<hbm>> -> memref<1000000x32xf32, #tpu.memory_space<hbm>>
      tpu.enqueue_indirect_dma source(%dma_start3A_179 : memref<1000000x32xf32, #tpu.memory_space<hbm>>) target(%dma_start3A_173 : memref<100x32xf32, #tpu.memory_space<vmem>>) offsets(%dma_start3A_176 : memref<100xi32, #tpu.memory_space<vmem>>) semaphore(%arg20 : memref<!tpu.dma_semaphore, #tpu.memory_space<semaphore_mem>>) {add = true}
      %dma_start3A_180 = arith.constant 3 : i32
      %dma_start3A_181 = arith.constant 300 : i32
      %dma_start3A_182 = arith.constant 0 : i32
      %dma_start3A_183 = tpu.memref_slice %arg11[%dma_start3A_181, %dma_start3A_182] : memref<800x32xf32, #tpu.memory_space<vmem>> -> memref<100x32xf32, #tpu.memory_space<vmem>>
      %dma_start3A_184 = arith.constant 0 : i32
      %dma_start3A_185 = tpu.memref_slice %arg7[%dma_start3A_180, %dma_start3A_184] : memref<8x100xi32, #tpu.memory_space<vmem>> -> memref<1x100xi32, #tpu.memory_space<vmem>>
      %dma_start3A_186 = tpu.memref_squeeze %dma_start3A_185 : memref<1x100xi32, #tpu.memory_space<vmem>> -> memref<100xi32, #tpu.memory_space<vmem>>
      %dma_start3A_187 = arith.constant 0 : i32
      %dma_start3A_188 = arith.constant 0 : i32
      %dma_start3A_189 = tpu.memref_slice %arg2[%dma_start3A_187, %dma_start3A_188] : memref<1000000x32xf32, #tpu.memory_space<hbm>> -> memref<1000000x32xf32, #tpu.memory_space<hbm>>
      tpu.enqueue_indirect_dma source(%dma_start3A_189 : memref<1000000x32xf32, #tpu.memory_space<hbm>>) target(%dma_start3A_183 : memref<100x32xf32, #tpu.memory_space<vmem>>) offsets(%dma_start3A_186 : memref<100xi32, #tpu.memory_space<vmem>>) semaphore(%arg20 : memref<!tpu.dma_semaphore, #tpu.memory_space<semaphore_mem>>) {add = true}
      %dma_start3A_190 = arith.constant 4 : i32
      %dma_start3A_191 = arith.constant 400 : i32
      %dma_start3A_192 = arith.constant 0 : i32
      %dma_start3A_193 = tpu.memref_slice %arg11[%dma_start3A_191, %dma_start3A_192] : memref<800x32xf32, #tpu.memory_space<vmem>> -> memref<100x32xf32, #tpu.memory_space<vmem>>
      %dma_start3A_194 = arith.constant 0 : i32
      %dma_start3A_195 = tpu.memref_slice %arg7[%dma_start3A_190, %dma_start3A_194] : memref<8x100xi32, #tpu.memory_space<vmem>> -> memref<1x100xi32, #tpu.memory_space<vmem>>
      %dma_start3A_196 = tpu.memref_squeeze %dma_start3A_195 : memref<1x100xi32, #tpu.memory_space<vmem>> -> memref<100xi32, #tpu.memory_space<vmem>>
      %dma_start3A_197 = arith.constant 0 : i32
      %dma_start3A_198 = arith.constant 0 : i32
      %dma_start3A_199 = tpu.memref_slice %arg2[%dma_start3A_197, %dma_start3A_198] : memref<1000000x32xf32, #tpu.memory_space<hbm>> -> memref<1000000x32xf32, #tpu.memory_space<hbm>>
      tpu.enqueue_indirect_dma source(%dma_start3A_199 : memref<1000000x32xf32, #tpu.memory_space<hbm>>) target(%dma_start3A_193 : memref<100x32xf32, #tpu.memory_space<vmem>>) offsets(%dma_start3A_196 : memref<100xi32, #tpu.memory_space<vmem>>) semaphore(%arg20 : memref<!tpu.dma_semaphore, #tpu.memory_space<semaphore_mem>>) {add = true}
      %dma_start3A_200 = arith.constant 5 : i32
      %dma_start3A_201 = arith.constant 500 : i32
      %dma_start3A_202 = arith.constant 0 : i32
      %dma_start3A_203 = tpu.memref_slice %arg11[%dma_start3A_201, %dma_start3A_202] : memref<800x32xf32, #tpu.memory_space<vmem>> -> memref<100x32xf32, #tpu.memory_space<vmem>>
      %dma_start3A_204 = arith.constant 0 : i32
      %dma_start3A_205 = tpu.memref_slice %arg7[%dma_start3A_200, %dma_start3A_204] : memref<8x100xi32, #tpu.memory_space<vmem>> -> memref<1x100xi32, #tpu.memory_space<vmem>>
      %dma_start3A_206 = tpu.memref_squeeze %dma_start3A_205 : memref<1x100xi32, #tpu.memory_space<vmem>> -> memref<100xi32, #tpu.memory_space<vmem>>
      %dma_start3A_207 = arith.constant 0 : i32
      %dma_start3A_208 = arith.constant 0 : i32
      %dma_start3A_209 = tpu.memref_slice %arg2[%dma_start3A_207, %dma_start3A_208] : memref<1000000x32xf32, #tpu.memory_space<hbm>> -> memref<1000000x32xf32, #tpu.memory_space<hbm>>
      tpu.enqueue_indirect_dma source(%dma_start3A_209 : memref<1000000x32xf32, #tpu.memory_space<hbm>>) target(%dma_start3A_203 : memref<100x32xf32, #tpu.memory_space<vmem>>) offsets(%dma_start3A_206 : memref<100xi32, #tpu.memory_space<vmem>>) semaphore(%arg20 : memref<!tpu.dma_semaphore, #tpu.memory_space<semaphore_mem>>) {add = true}
      %dma_start3A_210 = arith.constant 6 : i32
      %dma_start3A_211 = arith.constant 600 : i32
      %dma_start3A_212 = arith.constant 0 : i32
      %dma_start3A_213 = tpu.memref_slice %arg11[%dma_start3A_211, %dma_start3A_212] : memref<800x32xf32, #tpu.memory_space<vmem>> -> memref<100x32xf32, #tpu.memory_space<vmem>>
      %dma_start3A_214 = arith.constant 0 : i32
      %dma_start3A_215 = tpu.memref_slice %arg7[%dma_start3A_210, %dma_start3A_214] : memref<8x100xi32, #tpu.memory_space<vmem>> -> memref<1x100xi32, #tpu.memory_space<vmem>>
      %dma_start3A_216 = tpu.memref_squeeze %dma_start3A_215 : memref<1x100xi32, #tpu.memory_space<vmem>> -> memref<100xi32, #tpu.memory_space<vmem>>
      %dma_start3A_217 = arith.constant 0 : i32
      %dma_start3A_218 = arith.constant 0 : i32
      %dma_start3A_219 = tpu.memref_slice %arg2[%dma_start3A_217, %dma_start3A_218] : memref<1000000x32xf32, #tpu.memory_space<hbm>> -> memref<1000000x32xf32, #tpu.memory_space<hbm>>
      tpu.enqueue_indirect_dma source(%dma_start3A_219 : memref<1000000x32xf32, #tpu.memory_space<hbm>>) target(%dma_start3A_213 : memref<100x32xf32, #tpu.memory_space<vmem>>) offsets(%dma_start3A_216 : memref<100xi32, #tpu.memory_space<vmem>>) semaphore(%arg20 : memref<!tpu.dma_semaphore, #tpu.memory_space<semaphore_mem>>) {add = true}
      %dma_start3A_220 = arith.constant 7 : i32
      %dma_start3A_221 = arith.constant 700 : i32
      %dma_start3A_222 = arith.constant 0 : i32
      %dma_start3A_223 = tpu.memref_slice %arg11[%dma_start3A_221, %dma_start3A_222] : memref<800x32xf32, #tpu.memory_space<vmem>> -> memref<100x32xf32, #tpu.memory_space<vmem>>
      %dma_start3A_224 = arith.constant 0 : i32
      %dma_start3A_225 = tpu.memref_slice %arg7[%dma_start3A_220, %dma_start3A_224] : memref<8x100xi32, #tpu.memory_space<vmem>> -> memref<1x100xi32, #tpu.memory_space<vmem>>
      %dma_start3A_226 = tpu.memref_squeeze %dma_start3A_225 : memref<1x100xi32, #tpu.memory_space<vmem>> -> memref<100xi32, #tpu.memory_space<vmem>>
      %dma_start3A_227 = arith.constant 0 : i32
      %dma_start3A_228 = arith.constant 0 : i32
      %dma_start3A_229 = tpu.memref_slice %arg2[%dma_start3A_227, %dma_start3A_228] : memref<1000000x32xf32, #tpu.memory_space<hbm>> -> memref<1000000x32xf32, #tpu.memory_space<hbm>>
      tpu.enqueue_indirect_dma source(%dma_start3A_229 : memref<1000000x32xf32, #tpu.memory_space<hbm>>) target(%dma_start3A_223 : memref<100x32xf32, #tpu.memory_space<vmem>>) offsets(%dma_start3A_226 : memref<100xi32, #tpu.memory_space<vmem>>) semaphore(%arg20 : memref<!tpu.dma_semaphore, #tpu.memory_space<semaphore_mem>>) {add = true}
      %gt3A_230 = arith.constant 0 : i32
      %gt3A_231 = arith.cmpi sgt, %add3A_149, %gt3A_230 : i32
      %convert_element_type3A_232 = arith.extui %gt3A_231 : i1 to i32
      %cond3A_233 = arith.constant 0 : i32
      %cond3A_234 = arith.cmpi ne, %convert_element_type3A_232, %cond3A_233 : i32
      scf.if %cond3A_234 {
        %sub3A = arith.constant 1 : i32
        %sub3A_428 = arith.subi %add3A_149, %sub3A : i32
        %dma_wait3A_429 = arith.constant 0 : i32
        %dma_wait3A_430 = arith.constant 0 : i32
        %dma_wait3A_431 = tpu.memref_slice %arg2[%dma_wait3A_429, %dma_wait3A_430] : memref<1000000x32xf32, #tpu.memory_space<hbm>> -> memref<800x32xf32, #tpu.memory_space<hbm>>
        %dma_wait3A_432 = arith.constant 0 : i32
        %dma_wait3A_433 = arith.constant 0 : i32
        %dma_wait3A_434 = tpu.memref_slice %arg2[%dma_wait3A_432, %dma_wait3A_433] : memref<1000000x32xf32, #tpu.memory_space<hbm>> -> memref<800x32xf32, #tpu.memory_space<hbm>>
        tpu.wait_dma2 semaphore(%arg19 : memref<!tpu.dma_semaphore, #tpu.memory_space<semaphore_mem>>) src(%dma_wait3A_434 : memref<800x32xf32, #tpu.memory_space<hbm>>) dst(%arg10 : memref<800x32xf32, #tpu.memory_space<vmem>>)
        %mul3A_435 = arith.constant 25600 : i32
        %mul3A_436 = arith.muli %add3A, %mul3A_435 : i32
        %mul3A_437 = arith.constant 800 : i32
        %mul3A_438 = arith.muli %sub3A_428, %mul3A_437 : i32
        %add3A_439 = arith.addi %mul3A_436, %mul3A_438 : i32
        %dma_start3A_440 = arith.constant 0 : i32
        %dma_start3A_441 = tpu.memref_slice %arg5[%add3A_439, %dma_start3A_440] : memref<819200x32xf32, #tpu.memory_space<hbm>> -> memref<800x32xf32, #tpu.memory_space<hbm>>
        %dma_start3A_442 = arith.constant 0 : i32
        %dma_start3A_443 = tpu.memref_slice %arg5[%add3A_439, %dma_start3A_442] : memref<819200x32xf32, #tpu.memory_space<hbm>> -> memref<800x32xf32, #tpu.memory_space<hbm>>
        tpu.enqueue_dma source(%arg10 : memref<800x32xf32, #tpu.memory_space<vmem>>) target(%dma_start3A_443 : memref<800x32xf32, #tpu.memory_space<hbm>>) target_semaphore(%arg23 : memref<!tpu.dma_semaphore, #tpu.memory_space<semaphore_mem>>)
      } else {
      }
      %lt3A_235 = arith.constant 30 : i32
      %lt3A_236 = arith.cmpi slt, %add3A_149, %lt3A_235 : i32
      %convert_element_type3A_237 = arith.extui %lt3A_236 : i1 to i32
      %cond3A_238 = arith.constant 0 : i32
      %cond3A_239 = arith.cmpi ne, %convert_element_type3A_237, %cond3A_238 : i32
      scf.if %cond3A_239 {
        %ge3A = arith.constant 2 : i32
        %ge3A_428 = arith.cmpi sge, %add3A_149, %ge3A : i32
        %convert_element_type3A_429 = arith.extui %ge3A_428 : i1 to i32
        %cond3A_430 = arith.constant 0 : i32
        %cond3A_431 = arith.cmpi ne, %convert_element_type3A_429, %cond3A_430 : i32
        scf.if %cond3A_431 {
          %dma_wait3A_437 = arith.constant 0 : i32
          %dma_wait3A_438 = arith.constant 0 : i32
          %dma_wait3A_439 = tpu.memref_slice %arg5[%dma_wait3A_437, %dma_wait3A_438] : memref<819200x32xf32, #tpu.memory_space<hbm>> -> memref<800x32xf32, #tpu.memory_space<hbm>>
          %dma_wait3A_440 = arith.constant 0 : i32
          %dma_wait3A_441 = arith.constant 0 : i32
          %dma_wait3A_442 = tpu.memref_slice %arg5[%dma_wait3A_440, %dma_wait3A_441] : memref<819200x32xf32, #tpu.memory_space<hbm>> -> memref<800x32xf32, #tpu.memory_space<hbm>>
          tpu.wait_dma2 semaphore(%arg26 : memref<!tpu.dma_semaphore, #tpu.memory_space<semaphore_mem>>) src(%arg13 : memref<800x32xf32, #tpu.memory_space<vmem>>) dst(%dma_wait3A_442 : memref<800x32xf32, #tpu.memory_space<hbm>>)
        } else {
        }
        %add3A_432 = arith.constant 2 : i32
        %add3A_433 = arith.addi %add3A_149, %add3A_432 : i32
        %mul3A_434 = arith.constant 8 : i32
        %mul3A_435 = arith.muli %add3A_433, %mul3A_434 : i32
        %add3A_436 = arith.addi %mul3A_2, %mul3A_435 : i32
        "tpu.region"() ({
          %run_scoped3A = tpu.sem_alloc : memref<!tpu.dma_semaphore, #tpu.memory_space<semaphore_mem>>
          %dma_start3A_437 = arith.constant 0 : i32
          %dma_start3A_438 = tpu.memref_slice %arg3[%add3A_436, %dma_start3A_437] : memref<8192x100xi32, #tpu.memory_space<hbm>> -> memref<8x100xi32, #tpu.memory_space<hbm>>
          %dma_start3A_439 = arith.constant 0 : i32
          %dma_start3A_440 = tpu.memref_slice %arg3[%add3A_436, %dma_start3A_439] : memref<8192x100xi32, #tpu.memory_space<hbm>> -> memref<8x100xi32, #tpu.memory_space<hbm>>
          tpu.enqueue_dma source(%dma_start3A_440 : memref<8x100xi32, #tpu.memory_space<hbm>>) target(%arg9 : memref<8x100xi32, #tpu.memory_space<vmem>>) target_semaphore(%run_scoped3A : memref<!tpu.dma_semaphore, #tpu.memory_space<semaphore_mem>>)
          %dma_wait3A_441 = arith.constant 0 : i32
          %dma_wait3A_442 = tpu.memref_slice %arg3[%add3A_436, %dma_wait3A_441] : memref<8192x100xi32, #tpu.memory_space<hbm>> -> memref<8x100xi32, #tpu.memory_space<hbm>>
          %dma_wait3A_443 = arith.constant 0 : i32
          %dma_wait3A_444 = tpu.memref_slice %arg3[%add3A_436, %dma_wait3A_443] : memref<8192x100xi32, #tpu.memory_space<hbm>> -> memref<8x100xi32, #tpu.memory_space<hbm>>
          tpu.wait_dma2 semaphore(%run_scoped3A : memref<!tpu.dma_semaphore, #tpu.memory_space<semaphore_mem>>) src(%dma_wait3A_444 : memref<8x100xi32, #tpu.memory_space<hbm>>) dst(%arg9 : memref<8x100xi32, #tpu.memory_space<vmem>>)
          tpu.yield
        }) : () -> ()
        tpu.enqueue_dma source(%arg14 : memref<800x32xf32, #tpu.memory_space<vmem_shared>>) target(%arg13 : memref<800x32xf32, #tpu.memory_space<vmem>>) target_semaphore(%arg18 : memref<!tpu.dma_semaphore, #tpu.memory_space<semaphore_mem>>)
      } else {
      }
      %mul3A_240 = arith.constant 4 : i32
      %mul3A_241 = arith.muli %mul3A_240, %add3A_53 : i32
      %add3A_242 = arith.constant 2 : i32
      %add3A_243 = arith.addi %mul3A_241, %add3A_242 : i32
      tpu.wait_dma2 semaphore(%arg17 : memref<!tpu.dma_semaphore, #tpu.memory_space<semaphore_mem>>) src(%arg14 : memref<800x32xf32, #tpu.memory_space<vmem_shared>>) dst(%arg12 : memref<800x32xf32, #tpu.memory_space<vmem>>)
      %dma_start3A_244 = arith.constant 0 : i32
      %dma_start3A_245 = arith.constant 0 : i32
      %dma_start3A_246 = arith.constant 0 : i32
      %dma_start3A_247 = tpu.memref_slice %arg12[%dma_start3A_245, %dma_start3A_246] : memref<800x32xf32, #tpu.memory_space<vmem>> -> memref<100x32xf32, #tpu.memory_space<vmem>>
      %dma_start3A_248 = arith.constant 0 : i32
      %dma_start3A_249 = tpu.memref_slice %arg8[%dma_start3A_244, %dma_start3A_248] : memref<8x100xi32, #tpu.memory_space<vmem>> -> memref<1x100xi32, #tpu.memory_space<vmem>>
      %dma_start3A_250 = tpu.memref_squeeze %dma_start3A_249 : memref<1x100xi32, #tpu.memory_space<vmem>> -> memref<100xi32, #tpu.memory_space<vmem>>
      %dma_start3A_251 = arith.constant 0 : i32
      %dma_start3A_252 = arith.constant 0 : i32
      %dma_start3A_253 = tpu.memref_slice %arg2[%dma_start3A_251, %dma_start3A_252] : memref<1000000x32xf32, #tpu.memory_space<hbm>> -> memref<1000000x32xf32, #tpu.memory_space<hbm>>
      tpu.enqueue_indirect_dma source(%dma_start3A_253 : memref<1000000x32xf32, #tpu.memory_space<hbm>>) target(%dma_start3A_247 : memref<100x32xf32, #tpu.memory_space<vmem>>) offsets(%dma_start3A_250 : memref<100xi32, #tpu.memory_space<vmem>>) semaphore(%arg21 : memref<!tpu.dma_semaphore, #tpu.memory_space<semaphore_mem>>) {add = true}
      %dma_start3A_254 = arith.constant 1 : i32
      %dma_start3A_255 = arith.constant 100 : i32
      %dma_start3A_256 = arith.constant 0 : i32
      %dma_start3A_257 = tpu.memref_slice %arg12[%dma_start3A_255, %dma_start3A_256] : memref<800x32xf32, #tpu.memory_space<vmem>> -> memref<100x32xf32, #tpu.memory_space<vmem>>
      %dma_start3A_258 = arith.constant 0 : i32
      %dma_start3A_259 = tpu.memref_slice %arg8[%dma_start3A_254, %dma_start3A_258] : memref<8x100xi32, #tpu.memory_space<vmem>> -> memref<1x100xi32, #tpu.memory_space<vmem>>
      %dma_start3A_260 = tpu.memref_squeeze %dma_start3A_259 : memref<1x100xi32, #tpu.memory_space<vmem>> -> memref<100xi32, #tpu.memory_space<vmem>>
      %dma_start3A_261 = arith.constant 0 : i32
      %dma_start3A_262 = arith.constant 0 : i32
      %dma_start3A_263 = tpu.memref_slice %arg2[%dma_start3A_261, %dma_start3A_262] : memref<1000000x32xf32, #tpu.memory_space<hbm>> -> memref<1000000x32xf32, #tpu.memory_space<hbm>>
      tpu.enqueue_indirect_dma source(%dma_start3A_263 : memref<1000000x32xf32, #tpu.memory_space<hbm>>) target(%dma_start3A_257 : memref<100x32xf32, #tpu.memory_space<vmem>>) offsets(%dma_start3A_260 : memref<100xi32, #tpu.memory_space<vmem>>) semaphore(%arg21 : memref<!tpu.dma_semaphore, #tpu.memory_space<semaphore_mem>>) {add = true}
      %dma_start3A_264 = arith.constant 2 : i32
      %dma_start3A_265 = arith.constant 200 : i32
      %dma_start3A_266 = arith.constant 0 : i32
      %dma_start3A_267 = tpu.memref_slice %arg12[%dma_start3A_265, %dma_start3A_266] : memref<800x32xf32, #tpu.memory_space<vmem>> -> memref<100x32xf32, #tpu.memory_space<vmem>>
      %dma_start3A_268 = arith.constant 0 : i32
      %dma_start3A_269 = tpu.memref_slice %arg8[%dma_start3A_264, %dma_start3A_268] : memref<8x100xi32, #tpu.memory_space<vmem>> -> memref<1x100xi32, #tpu.memory_space<vmem>>
      %dma_start3A_270 = tpu.memref_squeeze %dma_start3A_269 : memref<1x100xi32, #tpu.memory_space<vmem>> -> memref<100xi32, #tpu.memory_space<vmem>>
      %dma_start3A_271 = arith.constant 0 : i32
      %dma_start3A_272 = arith.constant 0 : i32
      %dma_start3A_273 = tpu.memref_slice %arg2[%dma_start3A_271, %dma_start3A_272] : memref<1000000x32xf32, #tpu.memory_space<hbm>> -> memref<1000000x32xf32, #tpu.memory_space<hbm>>
      tpu.enqueue_indirect_dma source(%dma_start3A_273 : memref<1000000x32xf32, #tpu.memory_space<hbm>>) target(%dma_start3A_267 : memref<100x32xf32, #tpu.memory_space<vmem>>) offsets(%dma_start3A_270 : memref<100xi32, #tpu.memory_space<vmem>>) semaphore(%arg21 : memref<!tpu.dma_semaphore, #tpu.memory_space<semaphore_mem>>) {add = true}
      %dma_start3A_274 = arith.constant 3 : i32
      %dma_start3A_275 = arith.constant 300 : i32
      %dma_start3A_276 = arith.constant 0 : i32
      %dma_start3A_277 = tpu.memref_slice %arg12[%dma_start3A_275, %dma_start3A_276] : memref<800x32xf32, #tpu.memory_space<vmem>> -> memref<100x32xf32, #tpu.memory_space<vmem>>
      %dma_start3A_278 = arith.constant 0 : i32
      %dma_start3A_279 = tpu.memref_slice %arg8[%dma_start3A_274, %dma_start3A_278] : memref<8x100xi32, #tpu.memory_space<vmem>> -> memref<1x100xi32, #tpu.memory_space<vmem>>
      %dma_start3A_280 = tpu.memref_squeeze %dma_start3A_279 : memref<1x100xi32, #tpu.memory_space<vmem>> -> memref<100xi32, #tpu.memory_space<vmem>>
      %dma_start3A_281 = arith.constant 0 : i32
      %dma_start3A_282 = arith.constant 0 : i32
      %dma_start3A_283 = tpu.memref_slice %arg2[%dma_start3A_281, %dma_start3A_282] : memref<1000000x32xf32, #tpu.memory_space<hbm>> -> memref<1000000x32xf32, #tpu.memory_space<hbm>>
      tpu.enqueue_indirect_dma source(%dma_start3A_283 : memref<1000000x32xf32, #tpu.memory_space<hbm>>) target(%dma_start3A_277 : memref<100x32xf32, #tpu.memory_space<vmem>>) offsets(%dma_start3A_280 : memref<100xi32, #tpu.memory_space<vmem>>) semaphore(%arg21 : memref<!tpu.dma_semaphore, #tpu.memory_space<semaphore_mem>>) {add = true}
      %dma_start3A_284 = arith.constant 4 : i32
      %dma_start3A_285 = arith.constant 400 : i32
      %dma_start3A_286 = arith.constant 0 : i32
      %dma_start3A_287 = tpu.memref_slice %arg12[%dma_start3A_285, %dma_start3A_286] : memref<800x32xf32, #tpu.memory_space<vmem>> -> memref<100x32xf32, #tpu.memory_space<vmem>>
      %dma_start3A_288 = arith.constant 0 : i32
      %dma_start3A_289 = tpu.memref_slice %arg8[%dma_start3A_284, %dma_start3A_288] : memref<8x100xi32, #tpu.memory_space<vmem>> -> memref<1x100xi32, #tpu.memory_space<vmem>>
      %dma_start3A_290 = tpu.memref_squeeze %dma_start3A_289 : memref<1x100xi32, #tpu.memory_space<vmem>> -> memref<100xi32, #tpu.memory_space<vmem>>
      %dma_start3A_291 = arith.constant 0 : i32
      %dma_start3A_292 = arith.constant 0 : i32
      %dma_start3A_293 = tpu.memref_slice %arg2[%dma_start3A_291, %dma_start3A_292] : memref<1000000x32xf32, #tpu.memory_space<hbm>> -> memref<1000000x32xf32, #tpu.memory_space<hbm>>
      tpu.enqueue_indirect_dma source(%dma_start3A_293 : memref<1000000x32xf32, #tpu.memory_space<hbm>>) target(%dma_start3A_287 : memref<100x32xf32, #tpu.memory_space<vmem>>) offsets(%dma_start3A_290 : memref<100xi32, #tpu.memory_space<vmem>>) semaphore(%arg21 : memref<!tpu.dma_semaphore, #tpu.memory_space<semaphore_mem>>) {add = true}
      %dma_start3A_294 = arith.constant 5 : i32
      %dma_start3A_295 = arith.constant 500 : i32
      %dma_start3A_296 = arith.constant 0 : i32
      %dma_start3A_297 = tpu.memref_slice %arg12[%dma_start3A_295, %dma_start3A_296] : memref<800x32xf32, #tpu.memory_space<vmem>> -> memref<100x32xf32, #tpu.memory_space<vmem>>
      %dma_start3A_298 = arith.constant 0 : i32
      %dma_start3A_299 = tpu.memref_slice %arg8[%dma_start3A_294, %dma_start3A_298] : memref<8x100xi32, #tpu.memory_space<vmem>> -> memref<1x100xi32, #tpu.memory_space<vmem>>
      %dma_start3A_300 = tpu.memref_squeeze %dma_start3A_299 : memref<1x100xi32, #tpu.memory_space<vmem>> -> memref<100xi32, #tpu.memory_space<vmem>>
      %dma_start3A_301 = arith.constant 0 : i32
      %dma_start3A_302 = arith.constant 0 : i32
      %dma_start3A_303 = tpu.memref_slice %arg2[%dma_start3A_301, %dma_start3A_302] : memref<1000000x32xf32, #tpu.memory_space<hbm>> -> memref<1000000x32xf32, #tpu.memory_space<hbm>>
      tpu.enqueue_indirect_dma source(%dma_start3A_303 : memref<1000000x32xf32, #tpu.memory_space<hbm>>) target(%dma_start3A_297 : memref<100x32xf32, #tpu.memory_space<vmem>>) offsets(%dma_start3A_300 : memref<100xi32, #tpu.memory_space<vmem>>) semaphore(%arg21 : memref<!tpu.dma_semaphore, #tpu.memory_space<semaphore_mem>>) {add = true}
      %dma_start3A_304 = arith.constant 6 : i32
      %dma_start3A_305 = arith.constant 600 : i32
      %dma_start3A_306 = arith.constant 0 : i32
      %dma_start3A_307 = tpu.memref_slice %arg12[%dma_start3A_305, %dma_start3A_306] : memref<800x32xf32, #tpu.memory_space<vmem>> -> memref<100x32xf32, #tpu.memory_space<vmem>>
      %dma_start3A_308 = arith.constant 0 : i32
      %dma_start3A_309 = tpu.memref_slice %arg8[%dma_start3A_304, %dma_start3A_308] : memref<8x100xi32, #tpu.memory_space<vmem>> -> memref<1x100xi32, #tpu.memory_space<vmem>>
      %dma_start3A_310 = tpu.memref_squeeze %dma_start3A_309 : memref<1x100xi32, #tpu.memory_space<vmem>> -> memref<100xi32, #tpu.memory_space<vmem>>
      %dma_start3A_311 = arith.constant 0 : i32
      %dma_start3A_312 = arith.constant 0 : i32
      %dma_start3A_313 = tpu.memref_slice %arg2[%dma_start3A_311, %dma_start3A_312] : memref<1000000x32xf32, #tpu.memory_space<hbm>> -> memref<1000000x32xf32, #tpu.memory_space<hbm>>
      tpu.enqueue_indirect_dma source(%dma_start3A_313 : memref<1000000x32xf32, #tpu.memory_space<hbm>>) target(%dma_start3A_307 : memref<100x32xf32, #tpu.memory_space<vmem>>) offsets(%dma_start3A_310 : memref<100xi32, #tpu.memory_space<vmem>>) semaphore(%arg21 : memref<!tpu.dma_semaphore, #tpu.memory_space<semaphore_mem>>) {add = true}
      %dma_start3A_314 = arith.constant 7 : i32
      %dma_start3A_315 = arith.constant 700 : i32
      %dma_start3A_316 = arith.constant 0 : i32
      %dma_start3A_317 = tpu.memref_slice %arg12[%dma_start3A_315, %dma_start3A_316] : memref<800x32xf32, #tpu.memory_space<vmem>> -> memref<100x32xf32, #tpu.memory_space<vmem>>
      %dma_start3A_318 = arith.constant 0 : i32
      %dma_start3A_319 = tpu.memref_slice %arg8[%dma_start3A_314, %dma_start3A_318] : memref<8x100xi32, #tpu.memory_space<vmem>> -> memref<1x100xi32, #tpu.memory_space<vmem>>
      %dma_start3A_320 = tpu.memref_squeeze %dma_start3A_319 : memref<1x100xi32, #tpu.memory_space<vmem>> -> memref<100xi32, #tpu.memory_space<vmem>>
      %dma_start3A_321 = arith.constant 0 : i32
      %dma_start3A_322 = arith.constant 0 : i32
      %dma_start3A_323 = tpu.memref_slice %arg2[%dma_start3A_321, %dma_start3A_322] : memref<1000000x32xf32, #tpu.memory_space<hbm>> -> memref<1000000x32xf32, #tpu.memory_space<hbm>>
      tpu.enqueue_indirect_dma source(%dma_start3A_323 : memref<1000000x32xf32, #tpu.memory_space<hbm>>) target(%dma_start3A_317 : memref<100x32xf32, #tpu.memory_space<vmem>>) offsets(%dma_start3A_320 : memref<100xi32, #tpu.memory_space<vmem>>) semaphore(%arg21 : memref<!tpu.dma_semaphore, #tpu.memory_space<semaphore_mem>>) {add = true}
      %gt3A_324 = arith.constant 0 : i32
      %gt3A_325 = arith.cmpi sgt, %add3A_243, %gt3A_324 : i32
      %convert_element_type3A_326 = arith.extui %gt3A_325 : i1 to i32
      %cond3A_327 = arith.constant 0 : i32
      %cond3A_328 = arith.cmpi ne, %convert_element_type3A_326, %cond3A_327 : i32
      scf.if %cond3A_328 {
        %sub3A = arith.constant 1 : i32
        %sub3A_428 = arith.subi %add3A_243, %sub3A : i32
        %dma_wait3A_429 = arith.constant 0 : i32
        %dma_wait3A_430 = arith.constant 0 : i32
        %dma_wait3A_431 = tpu.memref_slice %arg2[%dma_wait3A_429, %dma_wait3A_430] : memref<1000000x32xf32, #tpu.memory_space<hbm>> -> memref<800x32xf32, #tpu.memory_space<hbm>>
        %dma_wait3A_432 = arith.constant 0 : i32
        %dma_wait3A_433 = arith.constant 0 : i32
        %dma_wait3A_434 = tpu.memref_slice %arg2[%dma_wait3A_432, %dma_wait3A_433] : memref<1000000x32xf32, #tpu.memory_space<hbm>> -> memref<800x32xf32, #tpu.memory_space<hbm>>
        tpu.wait_dma2 semaphore(%arg20 : memref<!tpu.dma_semaphore, #tpu.memory_space<semaphore_mem>>) src(%dma_wait3A_434 : memref<800x32xf32, #tpu.memory_space<hbm>>) dst(%arg11 : memref<800x32xf32, #tpu.memory_space<vmem>>)
        %mul3A_435 = arith.constant 25600 : i32
        %mul3A_436 = arith.muli %add3A, %mul3A_435 : i32
        %mul3A_437 = arith.constant 800 : i32
        %mul3A_438 = arith.muli %sub3A_428, %mul3A_437 : i32
        %add3A_439 = arith.addi %mul3A_436, %mul3A_438 : i32
        %dma_start3A_440 = arith.constant 0 : i32
        %dma_start3A_441 = tpu.memref_slice %arg5[%add3A_439, %dma_start3A_440] : memref<819200x32xf32, #tpu.memory_space<hbm>> -> memref<800x32xf32, #tpu.memory_space<hbm>>
        %dma_start3A_442 = arith.constant 0 : i32
        %dma_start3A_443 = tpu.memref_slice %arg5[%add3A_439, %dma_start3A_442] : memref<819200x32xf32, #tpu.memory_space<hbm>> -> memref<800x32xf32, #tpu.memory_space<hbm>>
        tpu.enqueue_dma source(%arg11 : memref<800x32xf32, #tpu.memory_space<vmem>>) target(%dma_start3A_443 : memref<800x32xf32, #tpu.memory_space<hbm>>) target_semaphore(%arg24 : memref<!tpu.dma_semaphore, #tpu.memory_space<semaphore_mem>>)
      } else {
      }
      %lt3A_329 = arith.constant 30 : i32
      %lt3A_330 = arith.cmpi slt, %add3A_243, %lt3A_329 : i32
      %convert_element_type3A_331 = arith.extui %lt3A_330 : i1 to i32
      %cond3A_332 = arith.constant 0 : i32
      %cond3A_333 = arith.cmpi ne, %convert_element_type3A_331, %cond3A_332 : i32
      scf.if %cond3A_333 {
        %ge3A = arith.constant 2 : i32
        %ge3A_428 = arith.cmpi sge, %add3A_243, %ge3A : i32
        %convert_element_type3A_429 = arith.extui %ge3A_428 : i1 to i32
        %cond3A_430 = arith.constant 0 : i32
        %cond3A_431 = arith.cmpi ne, %convert_element_type3A_429, %cond3A_430 : i32
        scf.if %cond3A_431 {
          %dma_wait3A_437 = arith.constant 0 : i32
          %dma_wait3A_438 = arith.constant 0 : i32
          %dma_wait3A_439 = tpu.memref_slice %arg5[%dma_wait3A_437, %dma_wait3A_438] : memref<819200x32xf32, #tpu.memory_space<hbm>> -> memref<800x32xf32, #tpu.memory_space<hbm>>
          %dma_wait3A_440 = arith.constant 0 : i32
          %dma_wait3A_441 = arith.constant 0 : i32
          %dma_wait3A_442 = tpu.memref_slice %arg5[%dma_wait3A_440, %dma_wait3A_441] : memref<819200x32xf32, #tpu.memory_space<hbm>> -> memref<800x32xf32, #tpu.memory_space<hbm>>
          tpu.wait_dma2 semaphore(%arg23 : memref<!tpu.dma_semaphore, #tpu.memory_space<semaphore_mem>>) src(%arg10 : memref<800x32xf32, #tpu.memory_space<vmem>>) dst(%dma_wait3A_442 : memref<800x32xf32, #tpu.memory_space<hbm>>)
        } else {
        }
        %add3A_432 = arith.constant 2 : i32
        %add3A_433 = arith.addi %add3A_243, %add3A_432 : i32
        %mul3A_434 = arith.constant 8 : i32
        %mul3A_435 = arith.muli %add3A_433, %mul3A_434 : i32
        %add3A_436 = arith.addi %mul3A_2, %mul3A_435 : i32
        "tpu.region"() ({
          %run_scoped3A = tpu.sem_alloc : memref<!tpu.dma_semaphore, #tpu.memory_space<semaphore_mem>>
          %dma_start3A_437 = arith.constant 0 : i32
          %dma_start3A_438 = tpu.memref_slice %arg3[%add3A_436, %dma_start3A_437] : memref<8192x100xi32, #tpu.memory_space<hbm>> -> memref<8x100xi32, #tpu.memory_space<hbm>>
          %dma_start3A_439 = arith.constant 0 : i32
          %dma_start3A_440 = tpu.memref_slice %arg3[%add3A_436, %dma_start3A_439] : memref<8192x100xi32, #tpu.memory_space<hbm>> -> memref<8x100xi32, #tpu.memory_space<hbm>>
          tpu.enqueue_dma source(%dma_start3A_440 : memref<8x100xi32, #tpu.memory_space<hbm>>) target(%arg6 : memref<8x100xi32, #tpu.memory_space<vmem>>) target_semaphore(%run_scoped3A : memref<!tpu.dma_semaphore, #tpu.memory_space<semaphore_mem>>)
          %dma_wait3A_441 = arith.constant 0 : i32
          %dma_wait3A_442 = tpu.memref_slice %arg3[%add3A_436, %dma_wait3A_441] : memref<8192x100xi32, #tpu.memory_space<hbm>> -> memref<8x100xi32, #tpu.memory_space<hbm>>
          %dma_wait3A_443 = arith.constant 0 : i32
          %dma_wait3A_444 = tpu.memref_slice %arg3[%add3A_436, %dma_wait3A_443] : memref<8192x100xi32, #tpu.memory_space<hbm>> -> memref<8x100xi32, #tpu.memory_space<hbm>>
          tpu.wait_dma2 semaphore(%run_scoped3A : memref<!tpu.dma_semaphore, #tpu.memory_space<semaphore_mem>>) src(%dma_wait3A_444 : memref<8x100xi32, #tpu.memory_space<hbm>>) dst(%arg6 : memref<8x100xi32, #tpu.memory_space<vmem>>)
          tpu.yield
        }) : () -> ()
        tpu.enqueue_dma source(%arg14 : memref<800x32xf32, #tpu.memory_space<vmem_shared>>) target(%arg10 : memref<800x32xf32, #tpu.memory_space<vmem>>) target_semaphore(%arg15 : memref<!tpu.dma_semaphore, #tpu.memory_space<semaphore_mem>>)
      } else {
      }
      %mul3A_334 = arith.constant 4 : i32
      %mul3A_335 = arith.muli %mul3A_334, %add3A_53 : i32
      %add3A_336 = arith.constant 3 : i32
      %add3A_337 = arith.addi %mul3A_335, %add3A_336 : i32
      tpu.wait_dma2 semaphore(%arg18 : memref<!tpu.dma_semaphore, #tpu.memory_space<semaphore_mem>>) src(%arg14 : memref<800x32xf32, #tpu.memory_space<vmem_shared>>) dst(%arg13 : memref<800x32xf32, #tpu.memory_space<vmem>>)
      %dma_start3A_338 = arith.constant 0 : i32
      %dma_start3A_339 = arith.constant 0 : i32
      %dma_start3A_340 = arith.constant 0 : i32
      %dma_start3A_341 = tpu.memref_slice %arg13[%dma_start3A_339, %dma_start3A_340] : memref<800x32xf32, #tpu.memory_space<vmem>> -> memref<100x32xf32, #tpu.memory_space<vmem>>
      %dma_start3A_342 = arith.constant 0 : i32
      %dma_start3A_343 = tpu.memref_slice %arg9[%dma_start3A_338, %dma_start3A_342] : memref<8x100xi32, #tpu.memory_space<vmem>> -> memref<1x100xi32, #tpu.memory_space<vmem>>
      %dma_start3A_344 = tpu.memref_squeeze %dma_start3A_343 : memref<1x100xi32, #tpu.memory_space<vmem>> -> memref<100xi32, #tpu.memory_space<vmem>>
      %dma_start3A_345 = arith.constant 0 : i32
      %dma_start3A_346 = arith.constant 0 : i32
      %dma_start3A_347 = tpu.memref_slice %arg2[%dma_start3A_345, %dma_start3A_346] : memref<1000000x32xf32, #tpu.memory_space<hbm>> -> memref<1000000x32xf32, #tpu.memory_space<hbm>>
      tpu.enqueue_indirect_dma source(%dma_start3A_347 : memref<1000000x32xf32, #tpu.memory_space<hbm>>) target(%dma_start3A_341 : memref<100x32xf32, #tpu.memory_space<vmem>>) offsets(%dma_start3A_344 : memref<100xi32, #tpu.memory_space<vmem>>) semaphore(%arg22 : memref<!tpu.dma_semaphore, #tpu.memory_space<semaphore_mem>>) {add = true}
      %dma_start3A_348 = arith.constant 1 : i32
      %dma_start3A_349 = arith.constant 100 : i32
      %dma_start3A_350 = arith.constant 0 : i32
      %dma_start3A_351 = tpu.memref_slice %arg13[%dma_start3A_349, %dma_start3A_350] : memref<800x32xf32, #tpu.memory_space<vmem>> -> memref<100x32xf32, #tpu.memory_space<vmem>>
      %dma_start3A_352 = arith.constant 0 : i32
      %dma_start3A_353 = tpu.memref_slice %arg9[%dma_start3A_348, %dma_start3A_352] : memref<8x100xi32, #tpu.memory_space<vmem>> -> memref<1x100xi32, #tpu.memory_space<vmem>>
      %dma_start3A_354 = tpu.memref_squeeze %dma_start3A_353 : memref<1x100xi32, #tpu.memory_space<vmem>> -> memref<100xi32, #tpu.memory_space<vmem>>
      %dma_start3A_355 = arith.constant 0 : i32
      %dma_start3A_356 = arith.constant 0 : i32
      %dma_start3A_357 = tpu.memref_slice %arg2[%dma_start3A_355, %dma_start3A_356] : memref<1000000x32xf32, #tpu.memory_space<hbm>> -> memref<1000000x32xf32, #tpu.memory_space<hbm>>
      tpu.enqueue_indirect_dma source(%dma_start3A_357 : memref<1000000x32xf32, #tpu.memory_space<hbm>>) target(%dma_start3A_351 : memref<100x32xf32, #tpu.memory_space<vmem>>) offsets(%dma_start3A_354 : memref<100xi32, #tpu.memory_space<vmem>>) semaphore(%arg22 : memref<!tpu.dma_semaphore, #tpu.memory_space<semaphore_mem>>) {add = true}
      %dma_start3A_358 = arith.constant 2 : i32
      %dma_start3A_359 = arith.constant 200 : i32
      %dma_start3A_360 = arith.constant 0 : i32
      %dma_start3A_361 = tpu.memref_slice %arg13[%dma_start3A_359, %dma_start3A_360] : memref<800x32xf32, #tpu.memory_space<vmem>> -> memref<100x32xf32, #tpu.memory_space<vmem>>
      %dma_start3A_362 = arith.constant 0 : i32
      %dma_start3A_363 = tpu.memref_slice %arg9[%dma_start3A_358, %dma_start3A_362] : memref<8x100xi32, #tpu.memory_space<vmem>> -> memref<1x100xi32, #tpu.memory_space<vmem>>
      %dma_start3A_364 = tpu.memref_squeeze %dma_start3A_363 : memref<1x100xi32, #tpu.memory_space<vmem>> -> memref<100xi32, #tpu.memory_space<vmem>>
      %dma_start3A_365 = arith.constant 0 : i32
      %dma_start3A_366 = arith.constant 0 : i32
      %dma_start3A_367 = tpu.memref_slice %arg2[%dma_start3A_365, %dma_start3A_366] : memref<1000000x32xf32, #tpu.memory_space<hbm>> -> memref<1000000x32xf32, #tpu.memory_space<hbm>>
      tpu.enqueue_indirect_dma source(%dma_start3A_367 : memref<1000000x32xf32, #tpu.memory_space<hbm>>) target(%dma_start3A_361 : memref<100x32xf32, #tpu.memory_space<vmem>>) offsets(%dma_start3A_364 : memref<100xi32, #tpu.memory_space<vmem>>) semaphore(%arg22 : memref<!tpu.dma_semaphore, #tpu.memory_space<semaphore_mem>>) {add = true}
      %dma_start3A_368 = arith.constant 3 : i32
      %dma_start3A_369 = arith.constant 300 : i32
      %dma_start3A_370 = arith.constant 0 : i32
      %dma_start3A_371 = tpu.memref_slice %arg13[%dma_start3A_369, %dma_start3A_370] : memref<800x32xf32, #tpu.memory_space<vmem>> -> memref<100x32xf32, #tpu.memory_space<vmem>>
      %dma_start3A_372 = arith.constant 0 : i32
      %dma_start3A_373 = tpu.memref_slice %arg9[%dma_start3A_368, %dma_start3A_372] : memref<8x100xi32, #tpu.memory_space<vmem>> -> memref<1x100xi32, #tpu.memory_space<vmem>>
      %dma_start3A_374 = tpu.memref_squeeze %dma_start3A_373 : memref<1x100xi32, #tpu.memory_space<vmem>> -> memref<100xi32, #tpu.memory_space<vmem>>
      %dma_start3A_375 = arith.constant 0 : i32
      %dma_start3A_376 = arith.constant 0 : i32
      %dma_start3A_377 = tpu.memref_slice %arg2[%dma_start3A_375, %dma_start3A_376] : memref<1000000x32xf32, #tpu.memory_space<hbm>> -> memref<1000000x32xf32, #tpu.memory_space<hbm>>
      tpu.enqueue_indirect_dma source(%dma_start3A_377 : memref<1000000x32xf32, #tpu.memory_space<hbm>>) target(%dma_start3A_371 : memref<100x32xf32, #tpu.memory_space<vmem>>) offsets(%dma_start3A_374 : memref<100xi32, #tpu.memory_space<vmem>>) semaphore(%arg22 : memref<!tpu.dma_semaphore, #tpu.memory_space<semaphore_mem>>) {add = true}
      %dma_start3A_378 = arith.constant 4 : i32
      %dma_start3A_379 = arith.constant 400 : i32
      %dma_start3A_380 = arith.constant 0 : i32
      %dma_start3A_381 = tpu.memref_slice %arg13[%dma_start3A_379, %dma_start3A_380] : memref<800x32xf32, #tpu.memory_space<vmem>> -> memref<100x32xf32, #tpu.memory_space<vmem>>
      %dma_start3A_382 = arith.constant 0 : i32
      %dma_start3A_383 = tpu.memref_slice %arg9[%dma_start3A_378, %dma_start3A_382] : memref<8x100xi32, #tpu.memory_space<vmem>> -> memref<1x100xi32, #tpu.memory_space<vmem>>
      %dma_start3A_384 = tpu.memref_squeeze %dma_start3A_383 : memref<1x100xi32, #tpu.memory_space<vmem>> -> memref<100xi32, #tpu.memory_space<vmem>>
      %dma_start3A_385 = arith.constant 0 : i32
      %dma_start3A_386 = arith.constant 0 : i32
      %dma_start3A_387 = tpu.memref_slice %arg2[%dma_start3A_385, %dma_start3A_386] : memref<1000000x32xf32, #tpu.memory_space<hbm>> -> memref<1000000x32xf32, #tpu.memory_space<hbm>>
      tpu.enqueue_indirect_dma source(%dma_start3A_387 : memref<1000000x32xf32, #tpu.memory_space<hbm>>) target(%dma_start3A_381 : memref<100x32xf32, #tpu.memory_space<vmem>>) offsets(%dma_start3A_384 : memref<100xi32, #tpu.memory_space<vmem>>) semaphore(%arg22 : memref<!tpu.dma_semaphore, #tpu.memory_space<semaphore_mem>>) {add = true}
      %dma_start3A_388 = arith.constant 5 : i32
      %dma_start3A_389 = arith.constant 500 : i32
      %dma_start3A_390 = arith.constant 0 : i32
      %dma_start3A_391 = tpu.memref_slice %arg13[%dma_start3A_389, %dma_start3A_390] : memref<800x32xf32, #tpu.memory_space<vmem>> -> memref<100x32xf32, #tpu.memory_space<vmem>>
      %dma_start3A_392 = arith.constant 0 : i32
      %dma_start3A_393 = tpu.memref_slice %arg9[%dma_start3A_388, %dma_start3A_392] : memref<8x100xi32, #tpu.memory_space<vmem>> -> memref<1x100xi32, #tpu.memory_space<vmem>>
      %dma_start3A_394 = tpu.memref_squeeze %dma_start3A_393 : memref<1x100xi32, #tpu.memory_space<vmem>> -> memref<100xi32, #tpu.memory_space<vmem>>
      %dma_start3A_395 = arith.constant 0 : i32
      %dma_start3A_396 = arith.constant 0 : i32
      %dma_start3A_397 = tpu.memref_slice %arg2[%dma_start3A_395, %dma_start3A_396] : memref<1000000x32xf32, #tpu.memory_space<hbm>> -> memref<1000000x32xf32, #tpu.memory_space<hbm>>
      tpu.enqueue_indirect_dma source(%dma_start3A_397 : memref<1000000x32xf32, #tpu.memory_space<hbm>>) target(%dma_start3A_391 : memref<100x32xf32, #tpu.memory_space<vmem>>) offsets(%dma_start3A_394 : memref<100xi32, #tpu.memory_space<vmem>>) semaphore(%arg22 : memref<!tpu.dma_semaphore, #tpu.memory_space<semaphore_mem>>) {add = true}
      %dma_start3A_398 = arith.constant 6 : i32
      %dma_start3A_399 = arith.constant 600 : i32
      %dma_start3A_400 = arith.constant 0 : i32
      %dma_start3A_401 = tpu.memref_slice %arg13[%dma_start3A_399, %dma_start3A_400] : memref<800x32xf32, #tpu.memory_space<vmem>> -> memref<100x32xf32, #tpu.memory_space<vmem>>
      %dma_start3A_402 = arith.constant 0 : i32
      %dma_start3A_403 = tpu.memref_slice %arg9[%dma_start3A_398, %dma_start3A_402] : memref<8x100xi32, #tpu.memory_space<vmem>> -> memref<1x100xi32, #tpu.memory_space<vmem>>
      %dma_start3A_404 = tpu.memref_squeeze %dma_start3A_403 : memref<1x100xi32, #tpu.memory_space<vmem>> -> memref<100xi32, #tpu.memory_space<vmem>>
      %dma_start3A_405 = arith.constant 0 : i32
      %dma_start3A_406 = arith.constant 0 : i32
      %dma_start3A_407 = tpu.memref_slice %arg2[%dma_start3A_405, %dma_start3A_406] : memref<1000000x32xf32, #tpu.memory_space<hbm>> -> memref<1000000x32xf32, #tpu.memory_space<hbm>>
      tpu.enqueue_indirect_dma source(%dma_start3A_407 : memref<1000000x32xf32, #tpu.memory_space<hbm>>) target(%dma_start3A_401 : memref<100x32xf32, #tpu.memory_space<vmem>>) offsets(%dma_start3A_404 : memref<100xi32, #tpu.memory_space<vmem>>) semaphore(%arg22 : memref<!tpu.dma_semaphore, #tpu.memory_space<semaphore_mem>>) {add = true}
      %dma_start3A_408 = arith.constant 7 : i32
      %dma_start3A_409 = arith.constant 700 : i32
      %dma_start3A_410 = arith.constant 0 : i32
      %dma_start3A_411 = tpu.memref_slice %arg13[%dma_start3A_409, %dma_start3A_410] : memref<800x32xf32, #tpu.memory_space<vmem>> -> memref<100x32xf32, #tpu.memory_space<vmem>>
      %dma_start3A_412 = arith.constant 0 : i32
      %dma_start3A_413 = tpu.memref_slice %arg9[%dma_start3A_408, %dma_start3A_412] : memref<8x100xi32, #tpu.memory_space<vmem>> -> memref<1x100xi32, #tpu.memory_space<vmem>>
      %dma_start3A_414 = tpu.memref_squeeze %dma_start3A_413 : memref<1x100xi32, #tpu.memory_space<vmem>> -> memref<100xi32, #tpu.memory_space<vmem>>
      %dma_start3A_415 = arith.constant 0 : i32
      %dma_start3A_416 = arith.constant 0 : i32
      %dma_start3A_417 = tpu.memref_slice %arg2[%dma_start3A_415, %dma_start3A_416] : memref<1000000x32xf32, #tpu.memory_space<hbm>> -> memref<1000000x32xf32, #tpu.memory_space<hbm>>
      tpu.enqueue_indirect_dma source(%dma_start3A_417 : memref<1000000x32xf32, #tpu.memory_space<hbm>>) target(%dma_start3A_411 : memref<100x32xf32, #tpu.memory_space<vmem>>) offsets(%dma_start3A_414 : memref<100xi32, #tpu.memory_space<vmem>>) semaphore(%arg22 : memref<!tpu.dma_semaphore, #tpu.memory_space<semaphore_mem>>) {add = true}
      %gt3A_418 = arith.constant 0 : i32
      %gt3A_419 = arith.cmpi sgt, %add3A_337, %gt3A_418 : i32
      %convert_element_type3A_420 = arith.extui %gt3A_419 : i1 to i32
      %cond3A_421 = arith.constant 0 : i32
      %cond3A_422 = arith.cmpi ne, %convert_element_type3A_420, %cond3A_421 : i32
      scf.if %cond3A_422 {
        %sub3A = arith.constant 1 : i32
        %sub3A_428 = arith.subi %add3A_337, %sub3A : i32
        %dma_wait3A_429 = arith.constant 0 : i32
        %dma_wait3A_430 = arith.constant 0 : i32
        %dma_wait3A_431 = tpu.memref_slice %arg2[%dma_wait3A_429, %dma_wait3A_430] : memref<1000000x32xf32, #tpu.memory_space<hbm>> -> memref<800x32xf32, #tpu.memory_space<hbm>>
        %dma_wait3A_432 = arith.constant 0 : i32
        %dma_wait3A_433 = arith.constant 0 : i32
        %dma_wait3A_434 = tpu.memref_slice %arg2[%dma_wait3A_432, %dma_wait3A_433] : memref<1000000x32xf32, #tpu.memory_space<hbm>> -> memref<800x32xf32, #tpu.memory_space<hbm>>
        tpu.wait_dma2 semaphore(%arg21 : memref<!tpu.dma_semaphore, #tpu.memory_space<semaphore_mem>>) src(%dma_wait3A_434 : memref<800x32xf32, #tpu.memory_space<hbm>>) dst(%arg12 : memref<800x32xf32, #tpu.memory_space<vmem>>)
        %mul3A_435 = arith.constant 25600 : i32
        %mul3A_436 = arith.muli %add3A, %mul3A_435 : i32
        %mul3A_437 = arith.constant 800 : i32
        %mul3A_438 = arith.muli %sub3A_428, %mul3A_437 : i32
        %add3A_439 = arith.addi %mul3A_436, %mul3A_438 : i32
        %dma_start3A_440 = arith.constant 0 : i32
        %dma_start3A_441 = tpu.memref_slice %arg5[%add3A_439, %dma_start3A_440] : memref<819200x32xf32, #tpu.memory_space<hbm>> -> memref<800x32xf32, #tpu.memory_space<hbm>>
        %dma_start3A_442 = arith.constant 0 : i32
        %dma_start3A_443 = tpu.memref_slice %arg5[%add3A_439, %dma_start3A_442] : memref<819200x32xf32, #tpu.memory_space<hbm>> -> memref<800x32xf32, #tpu.memory_space<hbm>>
        tpu.enqueue_dma source(%arg12 : memref<800x32xf32, #tpu.memory_space<vmem>>) target(%dma_start3A_443 : memref<800x32xf32, #tpu.memory_space<hbm>>) target_semaphore(%arg25 : memref<!tpu.dma_semaphore, #tpu.memory_space<semaphore_mem>>)
      } else {
      }
      %lt3A_423 = arith.constant 30 : i32
      %lt3A_424 = arith.cmpi slt, %add3A_337, %lt3A_423 : i32
      %convert_element_type3A_425 = arith.extui %lt3A_424 : i1 to i32
      %cond3A_426 = arith.constant 0 : i32
      %cond3A_427 = arith.cmpi ne, %convert_element_type3A_425, %cond3A_426 : i32
      scf.if %cond3A_427 {
        %ge3A = arith.constant 2 : i32
        %ge3A_428 = arith.cmpi sge, %add3A_337, %ge3A : i32
        %convert_element_type3A_429 = arith.extui %ge3A_428 : i1 to i32
        %cond3A_430 = arith.constant 0 : i32
        %cond3A_431 = arith.cmpi ne, %convert_element_type3A_429, %cond3A_430 : i32
        scf.if %cond3A_431 {
          %dma_wait3A_437 = arith.constant 0 : i32
          %dma_wait3A_438 = arith.constant 0 : i32
          %dma_wait3A_439 = tpu.memref_slice %arg5[%dma_wait3A_437, %dma_wait3A_438] : memref<819200x32xf32, #tpu.memory_space<hbm>> -> memref<800x32xf32, #tpu.memory_space<hbm>>
          %dma_wait3A_440 = arith.constant 0 : i32
          %dma_wait3A_441 = arith.constant 0 : i32
          %dma_wait3A_442 = tpu.memref_slice %arg5[%dma_wait3A_440, %dma_wait3A_441] : memref<819200x32xf32, #tpu.memory_space<hbm>> -> memref<800x32xf32, #tpu.memory_space<hbm>>
          tpu.wait_dma2 semaphore(%arg24 : memref<!tpu.dma_semaphore, #tpu.memory_space<semaphore_mem>>) src(%arg11 : memref<800x32xf32, #tpu.memory_space<vmem>>) dst(%dma_wait3A_442 : memref<800x32xf32, #tpu.memory_space<hbm>>)
        } else {
        }
        %add3A_432 = arith.constant 2 : i32
        %add3A_433 = arith.addi %add3A_337, %add3A_432 : i32
        %mul3A_434 = arith.constant 8 : i32
        %mul3A_435 = arith.muli %add3A_433, %mul3A_434 : i32
        %add3A_436 = arith.addi %mul3A_2, %mul3A_435 : i32
        "tpu.region"() ({
          %run_scoped3A = tpu.sem_alloc : memref<!tpu.dma_semaphore, #tpu.memory_space<semaphore_mem>>
          %dma_start3A_437 = arith.constant 0 : i32
          %dma_start3A_438 = tpu.memref_slice %arg3[%add3A_436, %dma_start3A_437] : memref<8192x100xi32, #tpu.memory_space<hbm>> -> memref<8x100xi32, #tpu.memory_space<hbm>>
          %dma_start3A_439 = arith.constant 0 : i32
          %dma_start3A_440 = tpu.memref_slice %arg3[%add3A_436, %dma_start3A_439] : memref<8192x100xi32, #tpu.memory_space<hbm>> -> memref<8x100xi32, #tpu.memory_space<hbm>>
          tpu.enqueue_dma source(%dma_start3A_440 : memref<8x100xi32, #tpu.memory_space<hbm>>) target(%arg7 : memref<8x100xi32, #tpu.memory_space<vmem>>) target_semaphore(%run_scoped3A : memref<!tpu.dma_semaphore, #tpu.memory_space<semaphore_mem>>)
          %dma_wait3A_441 = arith.constant 0 : i32
          %dma_wait3A_442 = tpu.memref_slice %arg3[%add3A_436, %dma_wait3A_441] : memref<8192x100xi32, #tpu.memory_space<hbm>> -> memref<8x100xi32, #tpu.memory_space<hbm>>
          %dma_wait3A_443 = arith.constant 0 : i32
          %dma_wait3A_444 = tpu.memref_slice %arg3[%add3A_436, %dma_wait3A_443] : memref<8192x100xi32, #tpu.memory_space<hbm>> -> memref<8x100xi32, #tpu.memory_space<hbm>>
          tpu.wait_dma2 semaphore(%run_scoped3A : memref<!tpu.dma_semaphore, #tpu.memory_space<semaphore_mem>>) src(%dma_wait3A_444 : memref<8x100xi32, #tpu.memory_space<hbm>>) dst(%arg7 : memref<8x100xi32, #tpu.memory_space<vmem>>)
          tpu.yield
        }) : () -> ()
        tpu.enqueue_dma source(%arg14 : memref<800x32xf32, #tpu.memory_space<vmem_shared>>) target(%arg11 : memref<800x32xf32, #tpu.memory_space<vmem>>) target_semaphore(%arg16 : memref<!tpu.dma_semaphore, #tpu.memory_space<semaphore_mem>>)
      } else {
      }
    }
    %scan3A_12 = arith.constant 8 : i32
    %dma_wait3A = arith.constant 0 : i32
    %dma_wait3A_13 = arith.constant 0 : i32
    %dma_wait3A_14 = tpu.memref_slice %arg2[%dma_wait3A, %dma_wait3A_13] : memref<1000000x32xf32, #tpu.memory_space<hbm>> -> memref<800x32xf32, #tpu.memory_space<hbm>>
    %dma_wait3A_15 = arith.constant 0 : i32
    %dma_wait3A_16 = arith.constant 0 : i32
    %dma_wait3A_17 = tpu.memref_slice %arg2[%dma_wait3A_15, %dma_wait3A_16] : memref<1000000x32xf32, #tpu.memory_space<hbm>> -> memref<800x32xf32, #tpu.memory_space<hbm>>
    tpu.wait_dma2 semaphore(%arg22 : memref<!tpu.dma_semaphore, #tpu.memory_space<semaphore_mem>>) src(%dma_wait3A_17 : memref<800x32xf32, #tpu.memory_space<hbm>>) dst(%arg13 : memref<800x32xf32, #tpu.memory_space<vmem>>)
    %mul3A_18 = arith.constant 25600 : i32
    %mul3A_19 = arith.muli %add3A, %mul3A_18 : i32
    %add3A_20 = arith.constant 24800 : i32
    %add3A_21 = arith.addi %mul3A_19, %add3A_20 : i32
    %dma_start3A = arith.constant 0 : i32
    %dma_start3A_22 = tpu.memref_slice %arg5[%add3A_21, %dma_start3A] : memref<819200x32xf32, #tpu.memory_space<hbm>> -> memref<800x32xf32, #tpu.memory_space<hbm>>
    %dma_start3A_23 = arith.constant 0 : i32
    %dma_start3A_24 = tpu.memref_slice %arg5[%add3A_21, %dma_start3A_23] : memref<819200x32xf32, #tpu.memory_space<hbm>> -> memref<800x32xf32, #tpu.memory_space<hbm>>
    tpu.enqueue_dma source(%arg13 : memref<800x32xf32, #tpu.memory_space<vmem>>) target(%dma_start3A_24 : memref<800x32xf32, #tpu.memory_space<hbm>>) target_semaphore(%arg26 : memref<!tpu.dma_semaphore, #tpu.memory_space<semaphore_mem>>)
    %dma_wait3A_25 = arith.constant 0 : i32
    %dma_wait3A_26 = arith.constant 0 : i32
    %dma_wait3A_27 = tpu.memref_slice %arg5[%dma_wait3A_25, %dma_wait3A_26] : memref<819200x32xf32, #tpu.memory_space<hbm>> -> memref<800x32xf32, #tpu.memory_space<hbm>>
    %dma_wait3A_28 = arith.constant 0 : i32
    %dma_wait3A_29 = arith.constant 0 : i32
    %dma_wait3A_30 = tpu.memref_slice %arg5[%dma_wait3A_28, %dma_wait3A_29] : memref<819200x32xf32, #tpu.memory_space<hbm>> -> memref<800x32xf32, #tpu.memory_space<hbm>>
    tpu.wait_dma2 semaphore(%arg23 : memref<!tpu.dma_semaphore, #tpu.memory_space<semaphore_mem>>) src(%arg10 : memref<800x32xf32, #tpu.memory_space<vmem>>) dst(%dma_wait3A_30 : memref<800x32xf32, #tpu.memory_space<hbm>>)
    %dma_wait3A_31 = arith.constant 0 : i32
    %dma_wait3A_32 = arith.constant 0 : i32
    %dma_wait3A_33 = tpu.memref_slice %arg5[%dma_wait3A_31, %dma_wait3A_32] : memref<819200x32xf32, #tpu.memory_space<hbm>> -> memref<800x32xf32, #tpu.memory_space<hbm>>
    %dma_wait3A_34 = arith.constant 0 : i32
    %dma_wait3A_35 = arith.constant 0 : i32
    %dma_wait3A_36 = tpu.memref_slice %arg5[%dma_wait3A_34, %dma_wait3A_35] : memref<819200x32xf32, #tpu.memory_space<hbm>> -> memref<800x32xf32, #tpu.memory_space<hbm>>
    tpu.wait_dma2 semaphore(%arg24 : memref<!tpu.dma_semaphore, #tpu.memory_space<semaphore_mem>>) src(%arg11 : memref<800x32xf32, #tpu.memory_space<vmem>>) dst(%dma_wait3A_36 : memref<800x32xf32, #tpu.memory_space<hbm>>)
    %dma_wait3A_37 = arith.constant 0 : i32
    %dma_wait3A_38 = arith.constant 0 : i32
    %dma_wait3A_39 = tpu.memref_slice %arg5[%dma_wait3A_37, %dma_wait3A_38] : memref<819200x32xf32, #tpu.memory_space<hbm>> -> memref<800x32xf32, #tpu.memory_space<hbm>>
    %dma_wait3A_40 = arith.constant 0 : i32
    %dma_wait3A_41 = arith.constant 0 : i32
    %dma_wait3A_42 = tpu.memref_slice %arg5[%dma_wait3A_40, %dma_wait3A_41] : memref<819200x32xf32, #tpu.memory_space<hbm>> -> memref<800x32xf32, #tpu.memory_space<hbm>>
    tpu.wait_dma2 semaphore(%arg25 : memref<!tpu.dma_semaphore, #tpu.memory_space<semaphore_mem>>) src(%arg12 : memref<800x32xf32, #tpu.memory_space<vmem>>) dst(%dma_wait3A_42 : memref<800x32xf32, #tpu.memory_space<hbm>>)
    %dma_wait3A_43 = arith.constant 0 : i32
    %dma_wait3A_44 = arith.constant 0 : i32
    %dma_wait3A_45 = tpu.memref_slice %arg5[%dma_wait3A_43, %dma_wait3A_44] : memref<819200x32xf32, #tpu.memory_space<hbm>> -> memref<800x32xf32, #tpu.memory_space<hbm>>
    %dma_wait3A_46 = arith.constant 0 : i32
    %dma_wait3A_47 = arith.constant 0 : i32
    %dma_wait3A_48 = tpu.memref_slice %arg5[%dma_wait3A_46, %dma_wait3A_47] : memref<819200x32xf32, #tpu.memory_space<hbm>> -> memref<800x32xf32, #tpu.memory_space<hbm>>
    tpu.wait_dma2 semaphore(%arg26 : memref<!tpu.dma_semaphore, #tpu.memory_space<semaphore_mem>>) src(%arg13 : memref<800x32xf32, #tpu.memory_space<vmem>>) dst(%dma_wait3A_48 : memref<800x32xf32, #tpu.memory_space<hbm>>)
    return
  }
}

</mosaic_0001>

<sc_bundles>
// kernel: kernel.3.cloned.1.call-start
scs
__scs_entry_jumppad:
0x0: {  	(pc) =	sbr.rel $0x88, $3  }
0x1: {  	(tag) =	ssettag $0x0;
	lr =	simm.s32 $0x1  }
0x2: {  	[smem:$0x3F9E] =	sst lr;
	_ =	strace $0xD0000000  }
0x3: {  	_ = 	snop  }
0x4: {  	_ = 	snop  }
0x5: {  	_ = 	snop  }
0x6: {  	_ = 	snop  }
0x7: {  	_ = 	snop  }
__scs_overlays_trampoline_lowered:
0x8: {  	[smem:$0x3FAD] =	sst s0  }
0x9: {  	[smem:$0x3FAE] =	sst s1  }
0xa: {  	[smem:$0x3FAF] =	sst s2  }
0xb: {  	[smem:$0x3FB0] =	sst s3  }
0xc: {  	[smem:$0x3FB1] =	sst s4  }
0xd: {  	[smem:$0x3FB2] =	sst s5  }
0xe: {  	[smem:$0x3FB3] =	sst s6  }
0xf: {  	[smem:$0x3FB4] =	sst s7  }
0x10: {  	[smem:$0x3FB5] =	sst s8  }
0x11: {  	[smem:$0x3FB6] =	sst s9;
	s0 =	simm.s32 @!p0 $0x0  }
0x12: {  	s1 =	sld [smem:$0x3F9C];
	s0 =	simm.s32 @p0 $0x1  }
0x13: {  	[smem:$0x3FB7] =	sst s0;
	s0 =	simm.s32 @!p1 $0x0  }
0x14: {  	s2 =	sld [smem:$0x3F9B];
	s0 =	simm.s32 @p1 $0x1  }
0x15: {  	[smem:$0x3FB8] =	sst s0;
	s0 =	simm.s32 @!p2 $0x0  }
0x16: {  	s3 =	sld [smem:$0x3FDB];
	s0 =	simm.s32 @p2 $0x1  }
0x17: {  	s4 =	simm.s32 $0x1BF5;
	[smem:$0x3FBA] =	sst s0  }
0x18: {  	s0 =	sld [smem:$0x3F9D];
	_ =	swait.ge [sflag:s4], $0x0  }
0x19: {  	s7 =	sld [smem:$0x3F9E]  }
0x1a: {  	s8 =	sadd.s32 $0xFFFFE003, lr  }
0x1b: {  	s9 =	sadd.s32 $0xFFFFFEF7, lr;
	s5 =	simm.s32 $0xFFFFFFFF;
	p2 =	slt.u32 s8, $0xFFFFF086  }
0x1c: {  	p1 =	slt.u32 s9, $0xF7A;
	s5 =	simm.s32 @!p2 $0x0  }
0x1d: {  	s5 =	simm.s32 @p1 $0x1;
	p0 =	seq.s32 s7, s2  }
0x1e: {  	s7 =	smul.u32 @!p0 $0xF7A, s2;
	p2 =	seq.s32 @!p0 s5, $0x0  }
0x1f: {  	s9 =	smul.u32 $0xF7A, s1;
	s8 =	simm.s32 @!p0 $0x1BF5;
	p2 =	por !p2, p0  }
0x20: {  	[sflag:s8] =	ssyncset.s32 @!p0 $0xFFFFF086;
	s6 =	sadd.s32 @!p0 s3, s7;
	s7 =	simm.s32 @!p0 $0x108  }
0x21: {  	s3 =	sadd.s32 s3, s9;
	s6 =	sadd.s32 @!p0 $0x88, s6;
	s7 =	simm.s32 @p2 $0x1082  }
0x22: {  	[simem:s7], [sflag:s8] =	dma.local @!p0 [hbm:s6], $0xF7A  }
0x23: {  	s9 =	sor.u32 $0xD0000000, s2;
	s6 =	simm.s32 $0x108;
	_ =	swait.ge @!p0 [sflag:s8], $0x0  }
0x24: {  	s3 =	sadd.s32 $0x88, s3;
	s6 =	simm.s32 @!p1 $0x1082;
	[sflag:s4] =	ssyncset.s32 $0xFFFFF086  }
0x25: {  	[simem:s6], [sflag:s4] =	dma.local [hbm:s3], $0xF7A  }
0x26: {  	[smem:$0x3F9E] =	sst s1;
	(tag) =	ssettag s2;
	_ =	strace s9  }
0x27: {  	s1 =	sld [smem:$0x3FAE]  }
0x28: {  	s2 =	sld [smem:$0x3FAF]  }
0x29: {  	s4 =	sld [smem:$0x3FB1]  }
0x2a: {  	p0 =	seq.s32 s5, $0x0;
	s5 =	sld [smem:$0x3FB2]  }
0x2b: {  	s6 =	sld [smem:$0x3FB3]  }
0x2c: {  	s7 =	sld [smem:$0x3FB4]  }
0x2d: {  	s3 =	simm.s32 $0x108;
	s8 =	sld [smem:$0x3FB5]  }
0x2e: {  	s3 =	simm.s32 @!p0 $0x1082;
	s9 =	sld [smem:$0x3FB6]  }
0x2f: {  	lr =	sadd.s32 s0, s3;
	s0 =	sld [smem:$0x3FAD]  }
0x30: {  	s3 =	sld [smem:$0x3FB0]  }
0x31: {  	[smem:$0x3FB9] =	sst s10  }
0x32: {  	s10 =	sld [smem:$0x3FB7];
	_ =	sdelay $0x3  }
0x33: {  	p0 =	seq.s32 s10, $0x1;
	s10 =	sld [smem:$0x3FB9];
	_ =	sdelay $0x3  }
0x34: {  	[smem:$0x3FB9] =	sst s10  }
0x35: {  	s10 =	sld [smem:$0x3FB8];
	_ =	sdelay $0x3  }
0x36: {  	p1 =	seq.s32 s10, $0x1;
	s10 =	sld [smem:$0x3FB9];
	_ =	sdelay $0x3  }
0x37: {  	[smem:$0x3FB9] =	sst s10  }
0x38: {  	s10 =	sld [smem:$0x3FBA]  }
0x39: {  	_ = 	snop;
	(pc) =	sbr.ind lr, $3  }
0x3a: {  	_ = 	snop  }
0x3b: {  	_ = 	snop  }
0x3c: {  	p2 =	seq.s32 s10, $0x1;
	s10 =	sld [smem:$0x3FB9]  }
0x3d: {  	_ =	shalt  }
0x3e: {  	_ =	shalt  }
0x3f: {  	_ =	shalt  }
0x40: {  	_ =	shalt  }
0x41: {  	_ =	shalt  }
0x42: {  	_ =	shalt  }
0x43: {  	_ =	shalt  }
0x44: {  	_ =	shalt  }
0x45: {  	_ =	shalt  }
0x46: {  	_ =	shalt  }
0x47: {  	_ =	shalt  }
0x48: {  	_ =	shalt  }
0x49: {  	_ =	shalt  }
0x4a: {  	_ =	shalt  }
0x4b: {  	_ =	shalt  }
0x4c: {  	_ =	shalt  }
0x4d: {  	_ =	shalt  }
0x4e: {  	_ =	shalt  }
0x4f: {  	_ =	shalt  }
0x50: {  	_ =	shalt  }
0x51: {  	_ =	shalt  }
0x52: {  	_ =	shalt  }
0x53: {  	_ =	shalt  }
0x54: {  	_ =	shalt  }
0x55: {  	_ =	shalt  }
0x56: {  	_ =	shalt  }
0x57: {  	_ =	shalt  }
0x58: {  	_ =	shalt  }
0x59: {  	_ =	shalt  }
0x5a: {  	_ =	shalt  }
0x5b: {  	_ =	shalt  }
0x5c: {  	_ =	shalt  }
0x5d: {  	_ =	shalt  }
0x5e: {  	_ =	shalt  }
0x5f: {  	_ =	shalt  }
0x60: {  	_ =	shalt  }
0x61: {  	_ =	shalt  }
0x62: {  	_ =	shalt  }
0x63: {  	_ =	shalt  }
0x64: {  	_ =	shalt  }
0x65: {  	_ =	shalt  }
0x66: {  	_ =	shalt  }
0x67: {  	_ =	shalt  }
0x68: {  	_ =	shalt  }
0x69: {  	_ =	shalt  }
0x6a: {  	_ =	shalt  }
0x6b: {  	_ =	shalt  }
0x6c: {  	_ =	shalt  }
0x6d: {  	_ =	shalt  }
0x6e: {  	_ =	shalt  }
0x6f: {  	_ =	shalt  }
0x70: {  	_ =	shalt  }
0x71: {  	_ =	shalt  }
0x72: {  	_ =	shalt  }
0x73: {  	_ =	shalt  }
0x74: {  	_ =	shalt  }
0x75: {  	_ =	shalt  }
0x76: {  	_ =	shalt  }
0x77: {  	_ =	shalt  }
0x78: {  	_ =	shalt  }
0x79: {  	_ =	shalt  }
0x7a: {  	_ =	shalt  }
0x7b: {  	_ =	shalt  }
0x7c: {  	_ =	shalt  }
0x7d: {  	_ =	shalt  }
0x7e: {  	_ =	shalt  }
0x7f: {  	_ =	shalt  }
0x80: {  	_ =	shalt  }
0x81: {  	_ =	shalt  }
0x82: {  	_ =	shalt  }
0x83: {  	_ =	shalt  }
0x84: {  	_ =	shalt  }
0x85: {  	_ =	shalt  }
0x86: {  	_ =	shalt  }
0x87: {  	_ =	shalt  }
.Lfunc_end0:
.L_simem_size_0:
called_computation.1_lowered:
.L_overlay_start_0:
0x88: {  	s2 =	sld [smem:$0x3FD9]  }
0x89: {  	s3 =	sld [smem:$0x3FFE];
	_ =	sdelay $0x1  }
0x8a: {  	s1 =	srdreg.scid  }
0x8b: {  	s0 =	sand.u32 $0x1, s1  }
0x8c: {  	s17 =	sshll.u32 s0, $0xA;
	s2 =	sadd.s32 s3, s2  }
0x8d: {  	s2 =	sadd.s32 s2, s17  }
0x8e: {  	[smem:$0x3FC5] =	sst s2  }
0x8f: {  	_ = 	snop  }
0x90: {  	s2 =	sld [smem:$0x3FD0];
	(tm) =	ssettm $0x1  }
0x91: {  	s18 =	sld [smem:$0x3FFB];
	_ =	sdelay $0x3  }
0x92: {  	_ =	strace s18  }
0x93: {  	s3 =	sld [smem:$0x3FFC];
	_ =	sdelay $0x3  }
0x94: {  	_ =	strace s3  }
0x95: {  	s3 =	sld [smem:$0x3FFD];
	_ =	sdelay $0x3  }
0x96: {  	_ =	strace s3  }
0x97: {  	_ =	strace $0x8FFFFFFF  }
0x98: {  	s19 =	sld [smem:$0x3FDB];
	_ =	sdelay $0x1  }
0x99: {  	s4 =	simm.s32 $_scs_section_size  }
0x9a: {  	s5 =	simm.s32 $_size__tile_overlayer_lowered;
	s6 =	simm.s32 $_tile_overlayer_lowered  }
0x9b: {  	s22 =	simm.s32 $0x1BFF;
	s21 =	sshll.u32 s6, $0x1;
	s3 =	sadd.s32 s4, s19  }
0x9c: {  	s7 =	simm.s32 $0x0;
	s20 =	sshll.u32 s5, $0x1;
	s5 =	sadd.s32 s21, s3  }
0x9d: {  	[timem:s7], [sflag:s22] =	dma.local [hbm:s5], s20  }
0x9e: {  	_ =	swait.ge [sflag:s22], s20  }
0x9f: {  	s4 =	ssub.s32 $0x0, s20;
	[sflag:s22] =	ssyncset.done $0x0  }
0xa0: {  	[sflag:s22] =	ssyncadd.s32 s4;
	_ =	sdelay $0x1  }
0xa1: {  	s23 =	simm.s32 $0x1B8B  }
0xa2: {  	_ =	swait.ge [sflag:s23], $0x1  }
0xa3: {  	[sflag:s23] =	ssyncset.done $0x0  }
0xa4: {  	s25 =	simm.s32 $0x1B8E;
	s24 =	sld [smem:$0x3FFE];
	[sflag:s23] =	ssyncadd.s32 $0xFFFFFFFF  }
0xa5: {  	s26 =	simm.s32 $execute0_lowered;
	[smem:$0x3FD2] =	sst s25  }
0xa6: {  	s5 =	sshll.u32 s26, $0x1;
	_ =	strace $0x80000046;
	[dreg:$0x1] =	wrdreg $0xFFFFFFFF  }
0xa7: {  	s28 =	simm.s32 $_size_execute0_lowered;
	s3 =	sadd.s32 s3, s5;
	[dreg:$0x0] =	wrdreg $0x0  }
0xa8: {  	s5 =	sshll.u32 s28, $0x1;
	[dreg:$0x2] =	wrdreg s3  }
0xa9: {  	[dreg:$0x3] =	wrdreg s5  }
0xaa: {  	[dreg:$0x4] =	wrdreg $0xC0  }
0xab: {  	_ =	task [dreg:s7], $0x5FFFF  }
0xac: {  	[dreg:$0x1] =	wrdreg $0xFFFFFFFF  }
0xad: {  	[dreg:$0x0] =	wrdreg $0x60  }
0xae: {  	[dreg:$0x2] =	wrdreg s24  }
0xaf: {  	[dreg:$0x3] =	wrdreg s2  }
0xb0: {  	[dreg:$0x4] =	wrdreg $0x19D000  }
0xb1: {  	[dreg:$0x5] =	wrdreg $0x9  }
0xb2: {  	_ =	task.clear_ibuf [dreg:s7], $0x6FFFF;
	_ =	strace $0x90000046  }
0xb3: {  	s29 =	simm.s32 $0x9;
	_ =	strace $0x80000048  }
0xb4: {  	_ =	swait.ge [sflag:s29], $0x1  }
0xb5: {  	[sflag:s29] =	ssyncadd.s32 $0xFFFFFFFF  }
0xb6: {  	_ =	strace $0x90000048  }
0xb7: {  	_ =	sfence  }
0xb8: {  	s30 =	sld [smem:$0x0];
	_ =	sdelay $0x2  }
0xb9: {  	s31 =	sshll.u32 s1, $0xD;
	s1 =	sshrl.u32 s1, $0x2  }
0xba: {  	s3 =	sand.u32 $0x4000, s31;
	s1 =	sadd.s32 s1, s30  }
0xbb: {  	s0 =	sor.u32 s3, s0;
	s1 =	sshll.u32 s1, $0x11  }
0xbc: {  	s0 =	sor.u32 s1, s0  }
0xbd: {  	s0 =	sadd.s32 $0x8F2B, s0  }
0xbe: {  	[sflag:s0] =	ssyncadd.remote.s32 $0x1  }
0xbf: {  	_ =	sfence.sel $0xFFFF  }
0xc0: {  	[dreg:$0x0] =	wrdreg $0xFFFFFFFF;
	(pc) =	sbr.abs _section_cstart, $3  }
0xc1: {  	[dreg:$0x1] =	wrdreg $0xFFFFFFFF  }
0xc2: {  	_ =	task.clear_ibuf [dreg:s7], $0x2FFFF;
	_ =	strace $0x9FFFFFFF  }
0xc3: {  	(tm) =	ssettm $0x7FFFFFFF  }
tec
execute0_lowered:
.L_overlay_start_1:
0x0: {  	(tag) =	ssettag $0x1  }
0x1: {  	s4 =	rddreg [dreg:$0x0]  }
0x2: {  	s24 =	rddreg [dreg:$0x1];
	s1 =	simm.s32 $0x0  }
0x3: {  	s19 =	simm.s32 $0x68;
	[smem:$0x7FF] =	sst s1  }
0x4: {  	s20 =	simm.s32 $0x1980;
	_ =	strace $0x80000047;
	[dreg:$0x5] =	wrdreg s19  }
0x5: {  	s21 =	simm.s32 $0xD0;
	[dreg:$0x6] =	wrdreg s20  }
0x6: {  	s22 =	simm.s32 $0x2600;
	[dreg:$0x7] =	wrdreg s21  }
0x7: {  	s23 =	simm.s32 $0x138;
	[dreg:$0x8] =	wrdreg s22  }
0x8: {  	s25 =	simm.s32 $0x3280;
	[dreg:$0x9] =	wrdreg s23  }
0x9: {  	s26 =	simm.s32 $0x1A0;
	[dreg:$0xa] =	wrdreg s25  }
0xa: {  	s31 =	simm.s32 $0x3F00;
	[dreg:$0xb] =	wrdreg s26  }
0xb: {  	s2 =	srdreg.scid;
	s1 =	simm.s32 $0x208;
	[dreg:$0xc] =	wrdreg s31  }
0xc: {  	s6 =	sand.u32 $0x1, s2;
	s2 =	simm.s32 $0x4B80;
	[dreg:$0xd] =	wrdreg s1  }
0xd: {  	s8 =	simm.s32 $0x5800;
	[dreg:$0xe] =	wrdreg s2  }
0xe: {  	s9 =	simm.s32 $0x2D8;
	[dreg:$0x10] =	wrdreg s8  }
0xf: {  	s10 =	simm.s32 $0x6480;
	[dreg:$0x11] =	wrdreg s9  }
0x10: {  	s11 =	simm.s32 $0x3A8;
	[dreg:$0x12] =	wrdreg s10  }
0x11: {  	s12 =	simm.s32 $0x7D80;
	[dreg:$0x13] =	wrdreg s11  }
0x12: {  	s13 =	simm.s32 $0x410;
	[dreg:$0x14] =	wrdreg s12  }
0x13: {  	s14 =	simm.s32 $0x8A00;
	[dreg:$0x15] =	wrdreg s13  }
0x14: {  	s15 =	simm.s32 $0x9680;
	[dreg:$0x16] =	wrdreg s14  }
0x15: {  	s0 =	stileid.u32;
	s17 =	sadd.s32 $0x1AC00, s4;
	[dreg:$0x18] =	wrdreg s15  }
0x16: {  	s16 =	simm.s32 $0x4E0;
	s3 =	sshll.u32 s0, $0x1;
	[smem:$0x7D9] =	sst s17  }
0x17: {  	s7 =	sor.u32 s6, s3;
	s3 =	simm.s32 $0x270;
	[dreg:$0x19] =	wrdreg s16  }
0x18: {  	s8 =	simm.s32 $0x478;
	[dreg:$0xf] =	wrdreg s3  }
0x19: {  	s20 =	simm.s32 $0x548;
	[dreg:$0x17] =	wrdreg s8  }
0x1a: {  	s21 =	simm.s32 $0xAF80;
	[dreg:$0x1b] =	wrdreg s20  }
0x1b: {  	s22 =	simm.s32 $0x5B0;
	[dreg:$0x1c] =	wrdreg s21  }
0x1c: {  	s23 =	simm.s32 $0xBC00;
	[dreg:$0x1d] =	wrdreg s22  }
0x1d: {  	s26 =	simm.s32 $0x618;
	[dreg:$0x1e] =	wrdreg s23  }
0x1e: {  	s31 =	simm.s32 $0xC880;
	[dreg:$0x1f] =	wrdreg s26  }
0x1f: {  	s2 =	simm.s32 $0x6E8;
	[smem:$0x7DC] =	sst s31  }
0x20: {  	s12 =	simm.s32 $0xEE00;
	[smem:$0x7DD] =	sst s2  }
0x21: {  	s14 =	simm.s32 $0x7B8;
	[smem:$0x7E1] =	sst s12  }
0x22: {  	s16 =	simm.s32 $0xFA80;
	[smem:$0x7E2] =	sst s14  }
0x23: {  	s3 =	simm.s32 $0xE180;
	[smem:$0x7E4] =	sst s16  }
0x24: {  	s20 =	simm.s32 $0x888;
	[smem:$0x7DE] =	sst s3  }
0x25: {  	s22 =	simm.s32 $0x11380;
	[smem:$0x7E8] =	sst s20  }
0x26: {  	s19 =	ssub.s32 $0x2, s6;
	s26 =	simm.s32 $0x12000;
	[smem:$0x7E9] =	sst s22  }
0x27: {  	s18 =	smul.u32 $0x6400, s7;
	s31 =	simm.s32 $0x958;
	[smem:$0x7EB] =	sst s26  }
0x28: {  	s30 =	simm.s32 $0x6;
	s10 =	sshrl.u32 s19, $0x1;
	[smem:$0x7EC] =	sst s31  }
0x29: {  	s8 =	ssub.s32 s19, s10;
	s10 =	simm.s32 $0x750;
	[smem:$0x7D8] =	sst s18  }
0x2a: {  	s28 =	simm.s32 $0x4;
	s19 =	simm.s32 $0x10700;
	[smem:$0x7E0] =	sst s10  }
0x2b: {  	s29 =	simm.s32 $0x680;
	s3 =	simm.s32 $0xA28;
	[smem:$0x7E6] =	sst s19  }
0x2c: {  	p0 =	sne.s32 s0, $0x0;
	s20 =	simm.s32 $0x17780;
	[smem:$0x7EF] =	sst s3  }
0x2d: {  	s9 =	sadd.s32 $0xC00, s4;
	s22 =	simm.s32 $0x18400;
	[smem:$0x7F8] =	sst s20  }
0x2e: {  	s13 =	smul.u32 $0xC800, s0;
	s26 =	simm.s32 $0xC98;
	[smem:$0x7FA] =	sst s22  }
0x2f: {  	s15 =	smul.u32 $0x6400, s6;
	s31 =	simm.s32 $0x19080;
	[smem:$0x7FB] =	sst s26  }
0x30: {  	s11 =	smul.u32 $0xD00, s7;
	s5 =	sor.u32 $0x320, s18;
	[smem:$0x7FC] =	sst s31  }
0x31: {  	s6 =	smul.u32 $0xD00, s6;
	s18 =	simm.s32 $0xA300;
	[dreg:$0x4] =	wrdreg s5  }
0x32: {  	s23 =	smul.u32 $0x1A00, s0;
	s25 =	sadd.s32 s9, s11;
	[dreg:$0x1a] =	wrdreg s18  }
0x33: {  	s7 =	smul.u32 $0xC8000, s7;
	s17 =	smax.u32 s8, $0x1;
	[smem:$0x7DA] =	sst s25  }
0x34: {  	s8 =	sadd.s32 s23, s9;
	s9 =	simm.s32 $0xA90;
	[smem:$0x7E3] =	sst s17  }
0x35: {  	s12 =	simm.s32 $0xD;
	s10 =	simm.s32 $0x15200;
	[smem:$0x7F1] =	sst s9  }
0x36: {  	s16 =	simm.s32 $0x7100;
	s1 =	sadd.s32 $0x68, s25;
	[smem:$0x7F2] =	sst s10  }
0x37: {  	s7 =	sshrl.u32 s7, $0x3;
	s18 =	simm.s32 $0x820;
	[smem:$0x7DB] =	sst s1  }
0x38: {  	s23 =	simm.s32 $0xD00;
	s25 =	simm.s32 $0x8F0;
	[smem:$0x7E5] =	sst s18  }
0x39: {  	s14 =	sadd.s32 s6, s8;
	s8 =	simm.s32 $0x14580;
	[smem:$0x7EA] =	sst s25  }
0x3a: {  	s19 =	simm.s32 $0x64;
	s17 =	simm.s32 $0x16B00;
	[smem:$0x7F0] =	sst s8  }
0x3b: {  	s20 =	simm.s32 $0x5;
	s7 =	sadd.s32 s24, s7;
	[smem:$0x7F6] =	sst s17  }
0x3c: {  	s3 =	simm.s32 $0x3;
	s11 =	sadd.s32 $0x18380, s7;
	[smem:$0x7FD] =	sst s14  }
0x3d: {  	s5 =	sadd.s32 $0xF43000, s4;
	s1 =	simm.s32 $0x12C80;
	[smem:$0x7DF] =	sst s11  }
0x3e: {  	s7 =	sadd.s32 s15, s13;
	s13 =	simm.s32 $0x15E80;
	[smem:$0x7ED] =	sst s1  }
0x3f: {  	s25 =	simm.s32 $0x340;
	s15 =	simm.s32 $0xB60;
	[smem:$0x7F4] =	sst s13  }
0x40: {  	s18 =	simm.s32 $0xBC8;
	s17 =	simm.s32 $0x680;
	[smem:$0x7F5] =	sst s15  }
0x41: {  	s7 =	sshll.u32 s7, $0x2;
	s11 =	simm.s32 $0xAF8;
	[smem:$0x7F7] =	sst s18  }
0x42: {  	s21 =	sadd.s32 $0x1FFFF380, s7;
	s2 =	sadd.s32 s24, s7;
	[smem:$0x7F3] =	sst s11  }
0x43: {  	s15 =	simm.s32 $0x2;
	[smem:$0x7E7] =	sst s21;
	s7 =	sadd.s32 $0x1900, s2  }
0x44: {  	s11 =	simm.s32 $0x1;
	s21 =	simm.s32 $0xC30;
	[smem:$0x7EE] =	sst s7  }
0x45: {  	s2 =	simm.s32 $0x0;
	[smem:$0x7F9] =	sst s21;
	s21 =	simm.s32 $0x9C0  }
.LBB2_1:
0x46: {  	s1 =	sld [smem:$0x7D9];
	_ =	sdelay $0x1  }
0x47: {  	s0 =	simm.s32 @!p0 $0x0;
	s4 =	simm.s32 @!p0 $0xD00  }
0x48: {  	[tilespmem:s4], [sflag:$0xD] =	stream.linear.gather @!p0 [hbm4b:s1+s0], $0x6400, $0x38;
	[tilespmem:$0x1A340] =	vst v63  }
0x49: {  	[smem:$0x7D7] =	sst s2;
	s0 =	simm.s32 @!p0 $0xD  }
0x4a: {  	_ =	swait.ge @!p0 [sflag:s0], $0x6400  }
0x4b: {  	[sflag:s0] =	ssyncset.done @!p0 $0x0  }
0x4c: {  	[sflag:s0] =	ssyncadd.s32 @!p0 $0xFFFF9C00  }
0x4d: {  	s18 =	rddreg [dreg:$0x2]  }
0x4e: {  	[spmem:s18] =	stream.linear.scatter @!p0 [tilespmem:s4], [sflag:$0xD], $0x6400, $0x38;
	[tilespmem:$0x1A340] =	vst v63  }
0x4f: {  	_ =	swait.ge @!p0 [sflag:s0], $0x6400  }
0x50: {  	[sflag:s0] =	ssyncset.done @!p0 $0x0  }
0x51: {  	[sflag:s0] =	ssyncadd.s32 @!p0 $0xFFFF9C00  }
0x52: {  	[bflag:$0x0] =	sbarrier.arrive $0xFFFF  }
0x53: {  	s10 =	sld [smem:$0x7DA];
	_ =	sdelay $0x1  }
0x54: {  	s26 =	simm.s32 $0x0  }
0x55: {  	[tilespmem:s26], [sflag:$0xD] =	stream.linear.gather [hbm4b:s10+s26], $0x340, $0x38;
	[tilespmem:$0x1A340] =	vst v63  }
0x56: {  	_ =	swait.ge [sflag:s12], $0x340  }
0x57: {  	[sflag:s12] =	ssyncset.done $0x0  }
0x58: {  	s13 =	sld [smem:$0x7DB];
	[sflag:s12] =	ssyncadd.s32 $0xFFFFFCC0  }
0x59: {  	[tilespmem:s23], [sflag:$0x1] =	stream.linear.gather [spmem:s18], $0x6400, $0x38;
	[tilespmem:$0x1A340] =	vst v63  }
0x5a: {  	_ = 	snop  }
0x5b: {  	[tilespmem:s25], [sflag:$0xD] =	stream.linear.gather [hbm4b:s13+s26], $0x340, $0x38;
	[tilespmem:$0x1A340] =	vst v63  }
0x5c: {  	_ =	swait.ge [sflag:s12], $0x340  }
0x5d: {  	[sflag:s12] =	ssyncset.done $0x0  }
0x5e: {  	[sflag:s12] =	ssyncadd.s32 $0xFFFFFCC0  }
0x5f: {  	[tilespmem:s16], [sflag:$0x2] =	stream.linear.gather [spmem:s18], $0x6400, $0x38;
	[tilespmem:$0x1A340] =	vst v63  }
0x60: {  	_ =	swait.ge [sflag:s11], $0x6400  }
0x61: {  	s0 =	rddreg [dreg:$0x10]  }
0x62: {  	s4 =	rddreg [dreg:$0xc]  }
0x63: {  	s6 =	rddreg [dreg:$0x9]  }
0x64: {  	s7 =	rddreg [dreg:$0x7]  }
0x65: {  	s8 =	rddreg [dreg:$0x8]  }
0x66: {  	s9 =	rddreg [dreg:$0x5];
	[sflag:s11] =	ssyncset.done $0x0  }
0x67: {  	s10 =	rddreg [dreg:$0x6];
	[sflag:s11] =	ssyncadd.s32 $0xFFFF9C00  }
0x68: {  	[tilespmem:s23], [sflag:$0x5] =	stream.indirect.gather.add.f32 [hbm:s5], $0x20, s26, s19, $0xb8;
	[tilespmem:$0x1A340] =	vst v63  }
0x69: {  	s22 =	rddreg [dreg:$0xa]  }
0x6a: {  	[tilespmem:s10], [sflag:$0x5] =	stream.indirect.gather.add.f32 [hbm:s5], $0x20, s9, s19, $0xb8;
	[tilespmem:$0x1A340] =	vst v63  }
0x6b: {  	s13 =	rddreg [dreg:$0xb]  }
0x6c: {  	[tilespmem:s8], [sflag:$0x5] =	stream.indirect.gather.add.f32 [hbm:s5], $0x20, s7, s19, $0xb8;
	[tilespmem:$0x1A340] =	vst v63  }
0x6d: {  	s1 =	rddreg [dreg:$0xe]  }
0x6e: {  	[tilespmem:s22], [sflag:$0x5] =	stream.indirect.gather.add.f32 [hbm:s5], $0x20, s6, s19, $0xb8;
	[tilespmem:$0x1A340] =	vst v63  }
0x6f: {  	s2 =	rddreg [dreg:$0xd]  }
0x70: {  	[tilespmem:s4], [sflag:$0x5] =	stream.indirect.gather.add.f32 [hbm:s5], $0x20, s13, s19, $0xb8;
	[tilespmem:$0x1A340] =	vst v63  }
0x71: {  	s11 =	rddreg [dreg:$0x11]  }
0x72: {  	[tilespmem:s1], [sflag:$0x5] =	stream.indirect.gather.add.f32 [hbm:s5], $0x20, s2, s19, $0xb8;
	[tilespmem:$0x1A340] =	vst v63  }
0x73: {  	p1 =	por $0x1, $0x1;
	s8 =	rddreg [dreg:$0xf]  }
0x74: {  	[tilespmem:s0], [sflag:$0x5] =	stream.indirect.gather.add.f32 [hbm:s5], $0x20, s8, s19, $0xb8;
	[tilespmem:$0x1A340] =	vst v63  }
0x75: {  	s10 =	rddreg [dreg:$0x12];
	s0 =	simm.s32 @!p1 $0x8  }
0x76: {  	[tilespmem:s10], [sflag:$0x5] =	stream.indirect.gather.add.f32 [hbm:s5], $0x20, s11, s19, $0xb8;
	[tilespmem:$0x1A340] =	vst v63  }
0x77: {  	_ =	swait.ge @!p1 [sflag:s0], $0x6400  }
0x78: {  	s1 =	sld [smem:$0x7E7];
	_ =	sdelay $0x1  }
0x79: {  	s7 =	simm.s32 @!p1 $0x0  }
0x7a: {  	s4 =	simm.s32 @!p1 $0xB;
	[sflag:s0] =	ssyncset.done @!p1 $0x0;
	s6 =	sand.u32 @!p1 $0x1FFFFF80, s1  }
0x7b: {  	[sflag:s0] =	ssyncadd.s32 @!p1 $0xFFFF9C00;
	s0 =	sadd.s32 @!p1 s24, s6;
	s6 =	simm.s32 @!p1 $0x13900  }
0x7c: {  	[hbm4b:s0+s7] =	stream.linear.scatter @!p1 [tilespmem:s6], [sflag:$0xC], $0x6400, $0x38;
	[tilespmem:$0x1A340] =	vst v63  }
0x7d: {  	_ =	swait.ge @!p1 [sflag:s4], $0x6400  }
0x7e: {  	s0 =	sadd.s32 $0x0, s14;
	[sflag:s4] =	ssyncset.done @!p1 $0x0  }
0x7f: {  	s13 =	sadd.s32 $0xD0, s0;
	[sflag:s4] =	ssyncadd.s32 @!p1 $0xFFFF9C00  }
0x80: {  	[tilespmem:s17], [sflag:$0xD] =	stream.linear.gather [hbm4b:s13+s26], $0x340, $0x38;
	[tilespmem:$0x1A340] =	vst v63  }
0x81: {  	_ =	swait.ge [sflag:s12], $0x340  }
0x82: {  	[sflag:s12] =	ssyncset.done $0x0  }
0x83: {  	s2 =	simm.s32 $0xD500;
	[sflag:s12] =	ssyncadd.s32 $0xFFFFFCC0  }
0x84: {  	[tilespmem:s2], [sflag:$0x3] =	stream.linear.gather [spmem:s18], $0x6400, $0x38;
	[tilespmem:$0x1A340] =	vst v63  }
0x85: {  	_ =	swait.ge [sflag:s15], $0x6400  }
0x86: {  	s4 =	rddreg [dreg:$0x17]  }
0x87: {  	s6 =	rddreg [dreg:$0x16]  }
0x88: {  	s7 =	rddreg [dreg:$0x18]  }
0x89: {  	s8 =	rddreg [dreg:$0x15]  }
0x8a: {  	s22 =	rddreg [dreg:$0x13]  }
0x8b: {  	[sflag:s15] =	ssyncset.done $0x0;
	s11 =	rddreg [dreg:$0x1a]  }
0x8c: {  	s13 =	rddreg [dreg:$0x19];
	[sflag:s15] =	ssyncadd.s32 $0xFFFF9C00  }
0x8d: {  	[tilespmem:s16], [sflag:$0x6] =	stream.indirect.gather.add.f32 [hbm:s5], $0x20, s25, s19, $0xb8;
	[tilespmem:$0x1A340] =	vst v63  }
0x8e: {  	s25 =	rddreg [dreg:$0x14]  }
0x8f: {  	[tilespmem:s25], [sflag:$0x6] =	stream.indirect.gather.add.f32 [hbm:s5], $0x20, s22, s19, $0xb8;
	[tilespmem:$0x1A340] =	vst v63  }
0x90: {  	s10 =	sld [smem:$0x7DC]  }
0x91: {  	[tilespmem:s6], [sflag:$0x6] =	stream.indirect.gather.add.f32 [hbm:s5], $0x20, s8, s19, $0xb8;
	[tilespmem:$0x1A340] =	vst v63  }
0x92: {  	s15 =	rddreg [dreg:$0x1c]  }
0x93: {  	[tilespmem:s7], [sflag:$0x6] =	stream.indirect.gather.add.f32 [hbm:s5], $0x20, s4, s19, $0xb8;
	[tilespmem:$0x1A340] =	vst v63  }
0x94: {  	s22 =	rddreg [dreg:$0x1e]  }
0x95: {  	[tilespmem:s11], [sflag:$0x6] =	stream.indirect.gather.add.f32 [hbm:s5], $0x20, s13, s19, $0xb8;
	[tilespmem:$0x1A340] =	vst v63  }
0x96: {  	s7 =	rddreg [dreg:$0x1b]  }
0x97: {  	[tilespmem:s15], [sflag:$0x6] =	stream.indirect.gather.add.f32 [hbm:s5], $0x20, s7, s19, $0xb8;
	[tilespmem:$0x1A340] =	vst v63  }
0x98: {  	s8 =	rddreg [dreg:$0x1d]  }
0x99: {  	[tilespmem:s22], [sflag:$0x6] =	stream.indirect.gather.add.f32 [hbm:s5], $0x20, s8, s19, $0xb8;
	[tilespmem:$0x1A340] =	vst v63  }
0x9a: {  	s25 =	rddreg [dreg:$0x1f]  }
0x9b: {  	[tilespmem:s10], [sflag:$0x6] =	stream.indirect.gather.add.f32 [hbm:s5], $0x20, s25, s19, $0xb8;
	[tilespmem:$0x1A340] =	vst v63  }
0x9c: {  	_ =	swait.ge [sflag:s20], $0x6400  }
0x9d: {  	s11 =	sld [smem:$0x7D8]  }
0x9e: {  	s7 =	simm.s32 $0x0  }
0x9f: {  	s7 =	simm.s32 @p1 $0x0  }
0xa0: {  	s4 =	sadd.s32 s11, s7  }
0xa1: {  	[sflag:s20] =	ssyncset.done $0x0;
	s4 =	sshll.u32 s4, $0x2  }
0xa2: {  	s6 =	simm.s32 @!p1 $0xC;
	[sflag:s20] =	ssyncadd.s32 $0xFFFF9C00;
	s4 =	sadd.s32 s24, s4  }
0xa3: {  	[hbm4b:s4+s26] =	stream.linear.scatter [tilespmem:s23], [sflag:$0x9], $0x6400, $0x38;
	[tilespmem:$0x1A340] =	vst v63  }
0xa4: {  	_ =	swait.ge @!p1 [sflag:s6], $0x6400  }
0xa5: {  	[sflag:s6] =	ssyncset.done @!p1 $0x0  }
0xa6: {  	s0 =	sadd.s32 $0x138, s0;
	[sflag:s6] =	ssyncadd.s32 @!p1 $0xFFFF9C00  }
0xa7: {  	[tilespmem:s21], [sflag:$0xD] =	stream.linear.gather [hbm4b:s0+s26], $0x340, $0x38;
	[tilespmem:$0x1A340] =	vst v63  }
0xa8: {  	_ =	swait.ge [sflag:s12], $0x340  }
0xa9: {  	[sflag:s12] =	ssyncset.done $0x0  }
0xaa: {  	[sflag:s12] =	ssyncadd.s32 $0xFFFFFCC0;
	s12 =	simm.s32 $0x13900  }
0xab: {  	[tilespmem:s12], [sflag:$0x4] =	stream.linear.gather [spmem:s18], $0x6400, $0x38;
	[tilespmem:$0x1A340] =	vst v63  }
0xac: {  	_ =	swait.ge [sflag:s3], $0x6400  }
0xad: {  	s13 =	sld [smem:$0x7E4]  }
0xae: {  	s20 =	sld [smem:$0x7DD]  }
0xaf: {  	s22 =	sld [smem:$0x7E0]  }
0xb0: {  	s8 =	sld [smem:$0x7ED]  }
0xb1: {  	s23 =	sld [smem:$0x7E2]  }
0xb2: {  	s10 =	sld [smem:$0x7EB]  }
0xb3: {  	[sflag:s3] =	ssyncset.done $0x0;
	s25 =	sld [smem:$0x7DE]  }
0xb4: {  	s11 =	sld [smem:$0x7E6];
	[sflag:s3] =	ssyncadd.s32 $0xFFFF9C00  }
0xb5: {  	[tilespmem:s2], [sflag:$0x7] =	stream.indirect.gather.add.f32 [hbm:s5], $0x20, s17, s19, $0xb8;
	[tilespmem:$0x1A340] =	vst v63  }
0xb6: {  	s3 =	sld [smem:$0x7E1]  }
0xb7: {  	[tilespmem:s25], [sflag:$0x7] =	stream.indirect.gather.add.f32 [hbm:s5], $0x20, s20, s19, $0xb8;
	[tilespmem:$0x1A340] =	vst v63  }
0xb8: {  	s2 =	sld [smem:$0x7E9]  }
0xb9: {  	[tilespmem:s3], [sflag:$0x7] =	stream.indirect.gather.add.f32 [hbm:s5], $0x20, s22, s19, $0xb8;
	[tilespmem:$0x1A340] =	vst v63  }
0xba: {  	s17 =	sld [smem:$0x7E5]  }
0xbb: {  	[tilespmem:s13], [sflag:$0x7] =	stream.indirect.gather.add.f32 [hbm:s5], $0x20, s23, s19, $0xb8;
	[tilespmem:$0x1A340] =	vst v63  }
0xbc: {  	s20 =	sld [smem:$0x7E8]  }
0xbd: {  	[tilespmem:s11], [sflag:$0x7] =	stream.indirect.gather.add.f32 [hbm:s5], $0x20, s17, s19, $0xb8;
	[tilespmem:$0x1A340] =	vst v63  }
0xbe: {  	s22 =	sld [smem:$0x7EA]  }
0xbf: {  	[tilespmem:s2], [sflag:$0x7] =	stream.indirect.gather.add.f32 [hbm:s5], $0x20, s20, s19, $0xb8;
	[tilespmem:$0x1A340] =	vst v63  }
0xc0: {  	s23 =	sld [smem:$0x7EC]  }
0xc1: {  	[tilespmem:s10], [sflag:$0x7] =	stream.indirect.gather.add.f32 [hbm:s5], $0x20, s22, s19, $0xb8;
	[tilespmem:$0x1A340] =	vst v63  }
0xc2: {  	_ = 	snop  }
0xc3: {  	[tilespmem:s8], [sflag:$0x7] =	stream.indirect.gather.add.f32 [hbm:s5], $0x20, s23, s19, $0xb8;
	[tilespmem:$0x1A340] =	vst v63  }
0xc4: {  	_ =	swait.ge [sflag:s30], $0x6400  }
0xc5: {  	s25 =	rddreg [dreg:$0x4]  }
0xc6: {  	s0 =	sadd.s32 s25, s7  }
0xc7: {  	s0 =	sshll.u32 s0, $0x2  }
0xc8: {  	[sflag:s30] =	ssyncset.done $0x0;
	s0 =	sand.u32 $0x1FFFFE80, s0  }
0xc9: {  	p2 =	por $0x0, $0x0;
	[sflag:s30] =	ssyncadd.s32 $0xFFFF9C00;
	s0 =	sadd.s32 s24, s0  }
0xca: {  	[hbm4b:s0+s26] =	stream.linear.scatter [tilespmem:s16], [sflag:$0xA], $0x6400, $0x38;
	[tilespmem:$0x1A340] =	vst v63  }
0xcb: {  	s0 =	simm.s32 @!p2 $0x9  }
0xcc: {  	_ =	swait.ge @!p2 [sflag:s0], $0x6400  }
0xcd: {  	s6 =	sadd.s32 @!p2 $0x0, s14;
	s10 =	simm.s32 @!p2 $0xD;
	[sflag:s0] =	ssyncset.done @!p2 $0x0  }
0xce: {  	s7 =	simm.s32 @!p2 $0x0;
	[sflag:s0] =	ssyncadd.s32 @!p2 $0xFFFF9C00;
	s0 =	sadd.s32 @!p2 $0x1A0, s6  }
0xcf: {  	[tilespmem:s7], [sflag:$0xD] =	stream.linear.gather @!p2 [hbm4b:s0+s7], $0x340, $0x38;
	[tilespmem:$0x1A340] =	vst v63  }
0xd0: {  	_ =	swait.ge @!p2 [sflag:s10], $0x340  }
0xd1: {  	[sflag:s10] =	ssyncset.done @!p2 $0x0  }
0xd2: {  	s0 =	simm.s32 @!p2 $0xD00;
	[sflag:s10] =	ssyncadd.s32 @!p2 $0xFFFFFCC0  }
0xd3: {  	[tilespmem:s0], [sflag:$0x1] =	stream.linear.gather @!p2 [spmem:s18], $0x6400, $0x38;
	[tilespmem:$0x1A340] =	vst v63  }
0xd4: {  	_ =	swait.ge [sflag:s28], $0x6400  }
0xd5: {  	s26 =	sld [smem:$0x7F0]  }
0xd6: {  	s30 =	sld [smem:$0x7EF]  }
0xd7: {  	s20 =	sld [smem:$0x7F1]  }
0xd8: {  	s31 =	simm.s32 $0x1A0;
	s9 =	simm.s32 $0x0;
	s4 =	sld [smem:$0x7FC]  }
0xd9: {  	s8 =	simm.s32 $0x6;
	[sflag:s28] =	ssyncset.done $0x0;
	s13 =	sld [smem:$0x7EE]  }
0xda: {  	s16 =	sadd.s32 @!p2 $0x208, s6;
	s15 =	sld [smem:$0x7FA];
	[sflag:s28] =	ssyncadd.s32 $0xFFFF9C00  }
0xdb: {  	[tilespmem:s12], [sflag:$0x8] =	stream.indirect.gather.add.f32 [hbm:s5], $0x20, s21, s19, $0xb8;
	[tilespmem:$0x1A340] =	vst v63  }
0xdc: {  	s6 =	sadd.s32 $0x3200, s1;
	s17 =	sld [smem:$0x7F8];
	s0 =	sadd.s32 $0x3200, s13  }
0xdd: {  	[tilespmem:s26], [sflag:$0x8] =	stream.indirect.gather.add.f32 [hbm:s5], $0x20, s30, s19, $0xb8;
	[tilespmem:$0x1A340] =	vst v63  }
.LBB2_2:
0xde: {  	s26 =	sld [smem:$0x7F6]  }
0xdf: {  	s1 =	sld [smem:$0x7F2]  }
0xe0: {  	s25 =	sld [smem:$0x7F4]  }
0xe1: {  	s18 =	sld [smem:$0x7F3]  }
0xe2: {  	[tilespmem:s1], [sflag:$0x8] =	stream.indirect.gather.add.f32 [hbm:s5], $0x20, s20, s19, $0xb8;
	[tilespmem:$0x1A340] =	vst v63  }
0xe3: {  	s21 =	sld [smem:$0x7F5]  }
0xe4: {  	[tilespmem:s25], [sflag:$0x8] =	stream.indirect.gather.add.f32 [hbm:s5], $0x20, s18, s19, $0xb8;
	[tilespmem:$0x1A340] =	vst v63  }
0xe5: {  	s2 =	sld [smem:$0x7F7]  }
0xe6: {  	[tilespmem:s26], [sflag:$0x8] =	stream.indirect.gather.add.f32 [hbm:s5], $0x20, s21, s19, $0xb8;
	[tilespmem:$0x1A340] =	vst v63  }
0xe7: {  	s12 =	sld [smem:$0x7F9]  }
0xe8: {  	[tilespmem:s17], [sflag:$0x8] =	stream.indirect.gather.add.f32 [hbm:s5], $0x20, s2, s19, $0xb8;
	[tilespmem:$0x1A340] =	vst v63  }
0xe9: {  	s14 =	sld [smem:$0x7FB]  }
0xea: {  	[tilespmem:s15], [sflag:$0x8] =	stream.indirect.gather.add.f32 [hbm:s5], $0x20, s12, s19, $0xb8;
	[tilespmem:$0x1A340] =	vst v63  }
0xeb: {  	s17 =	simm.s32 $0x7  }
0xec: {  	[tilespmem:s4], [sflag:$0x8] =	stream.indirect.gather.add.f32 [hbm:s5], $0x20, s14, s19, $0xb8;
	[tilespmem:$0x1A340] =	vst v63  }
0xed: {  	s3 =	sld [smem:$0x7D8];
	_ =	swait.ge [sflag:s17], $0x6400  }
0xee: {  	s30 =	simm.s32 $0xD500;
	[sflag:s17] =	ssyncset.done $0x0  }
0xef: {  	s28 =	simm.s32 $0x0;
	s1 =	simm.s32 @!p2 $0xA;
	[sflag:s17] =	ssyncadd.s32 $0xFFFF9C00  }
0xf0: {  	[hbm4b:s13+s28] =	stream.linear.scatter [tilespmem:s30], [sflag:$0xB], $0x6400, $0x38;
	[tilespmem:$0x1A340] =	vst v63  }
0xf1: {  	_ =	swait.ge @!p2 [sflag:s1], $0x6400  }
0xf2: {  	[sflag:s1] =	ssyncset.done @!p2 $0x0  }
0xf3: {  	s4 =	simm.s32 @!p2 $0x340;
	[sflag:s1] =	ssyncadd.s32 @!p2 $0xFFFF9C00  }
0xf4: {  	[tilespmem:s4], [sflag:$0xD] =	stream.linear.gather @!p2 [hbm4b:s16+s7], $0x340, $0x38;
	[tilespmem:$0x1A340] =	vst v63  }
0xf5: {  	_ =	swait.ge @!p2 [sflag:s10], $0x340  }
0xf6: {  	[sflag:s10] =	ssyncset.done @!p2 $0x0  }
0xf7: {  	[sflag:s10] =	ssyncadd.s32 @!p2 $0xFFFFFCC0  }
0xf8: {  	s2 =	simm.s32 $0x1;
	s1 =	simm.s32 @!p2 $0x7100;
	s26 =	rddreg [dreg:$0x2]  }
0xf9: {  	[tilespmem:s1], [sflag:$0x2] =	stream.linear.gather @!p2 [spmem:s26], $0x6400, $0x38;
	[tilespmem:$0x1A340] =	vst v63  }
0xfa: {  	_ =	swait.ge [sflag:s2], $0x6400  }
0xfb: {  	s1 =	rddreg [dreg:$0x10]  }
0xfc: {  	s4 =	rddreg [dreg:$0xc]  }
0xfd: {  	s7 =	rddreg [dreg:$0x9]  }
0xfe: {  	s18 =	rddreg [dreg:$0x7]  }
0xff: {  	s20 =	rddreg [dreg:$0x8]  }
0x100: {  	[sflag:s2] =	ssyncset.done $0x0;
	s21 =	rddreg [dreg:$0x5]  }
0x101: {  	s23 =	simm.s32 $0xD00;
	s12 =	rddreg [dreg:$0xa];
	[sflag:s2] =	ssyncadd.s32 $0xFFFF9C00  }
0x102: {  	[tilespmem:s23], [sflag:$0x5] =	stream.indirect.gather.add.f32 [hbm:s5], $0x20, s28, s19, $0xb8;
	[tilespmem:$0x1A340] =	vst v63  }
0x103: {  	s2 =	rddreg [dreg:$0x6]  }
0x104: {  	[tilespmem:s2], [sflag:$0x5] =	stream.indirect.gather.add.f32 [hbm:s5], $0x20, s21, s19, $0xb8;
	[tilespmem:$0x1A340] =	vst v63  }
0x105: {  	s14 =	rddreg [dreg:$0xb]  }
0x106: {  	[tilespmem:s20], [sflag:$0x5] =	stream.indirect.gather.add.f32 [hbm:s5], $0x20, s18, s19, $0xb8;
	[tilespmem:$0x1A340] =	vst v63  }
0x107: {  	s17 =	rddreg [dreg:$0xe]  }
0x108: {  	[tilespmem:s12], [sflag:$0x5] =	stream.indirect.gather.add.f32 [hbm:s5], $0x20, s7, s19, $0xb8;
	[tilespmem:$0x1A340] =	vst v63  }
0x109: {  	s21 =	rddreg [dreg:$0xd]  }
0x10a: {  	[tilespmem:s4], [sflag:$0x5] =	stream.indirect.gather.add.f32 [hbm:s5], $0x20, s14, s19, $0xb8;
	[tilespmem:$0x1A340] =	vst v63  }
0x10b: {  	s11 =	smov.u32 s31;
	s2 =	rddreg [dreg:$0xf]  }
0x10c: {  	[tilespmem:s17], [sflag:$0x5] =	stream.indirect.gather.add.f32 [hbm:s5], $0x20, s21, s19, $0xb8;
	[tilespmem:$0x1A340] =	vst v63  }
0x10d: {  	p2 =	seq.s32 s11, $0x0;
	s12 =	rddreg [dreg:$0x12]  }
0x10e: {  	[tilespmem:s1], [sflag:$0x5] =	stream.indirect.gather.add.f32 [hbm:s5], $0x20, s2, s19, $0xb8;
	[tilespmem:$0x1A340] =	vst v63  }
0x10f: {  	s14 =	rddreg [dreg:$0x11];
	s1 =	simm.s32 @!p2 $0x8  }
0x110: {  	[tilespmem:s12], [sflag:$0x5] =	stream.indirect.gather.add.f32 [hbm:s5], $0x20, s14, s19, $0xb8;
	[tilespmem:$0x1A340] =	vst v63  }
0x111: {  	s22 =	smov.u32 s24;
	s10 =	simm.s32 @!p2 $0x0;
	_ =	swait.ge @!p2 [sflag:s1], $0x6400  }
0x112: {  	s7 =	sand.u32 @!p2 $0x1FFFFF80, s6;
	s4 =	simm.s32 @!p2 $0xB;
	[sflag:s1] =	ssyncset.done @!p2 $0x0  }
0x113: {  	[sflag:s1] =	ssyncadd.s32 @!p2 $0xFFFF9C00;
	s1 =	sadd.s32 @!p2 s22, s7;
	s7 =	simm.s32 @!p2 $0x13900  }
0x114: {  	[hbm4b:s1+s10] =	stream.linear.scatter @!p2 [tilespmem:s7], [sflag:$0xC], $0x6400, $0x38;
	[tilespmem:$0x1A340] =	vst v63  }
0x115: {  	_ =	swait.ge @!p2 [sflag:s4], $0x6400  }
0x116: {  	s24 =	smov.u32 s22;
	s22 =	sld [smem:$0x7FD];
	_ =	sdelay $0x2  }
0x117: {  	[sflag:s4] =	ssyncset.done @!p2 $0x0;
	s10 =	sadd.s32 s11, s22  }
0x118: {  	s12 =	simm.s32 $0xD;
	[sflag:s4] =	ssyncadd.s32 @!p2 $0xFFFF9C00;
	s15 =	sadd.s32 $0xD0, s10  }
0x119: {  	[tilespmem:s29], [sflag:$0xD] =	stream.linear.gather [hbm4b:s15+s28], $0x340, $0x38;
	[tilespmem:$0x1A340] =	vst v63  }
0x11a: {  	_ =	swait.ge [sflag:s12], $0x340  }
0x11b: {  	[sflag:s12] =	ssyncset.done $0x0  }
0x11c: {  	s16 =	simm.s32 $0x2;
	[sflag:s12] =	ssyncadd.s32 $0xFFFFFCC0  }
0x11d: {  	[tilespmem:s30], [sflag:$0x3] =	stream.linear.gather [spmem:s26], $0x6400, $0x38;
	[tilespmem:$0x1A340] =	vst v63  }
0x11e: {  	_ =	swait.ge [sflag:s16], $0x6400  }
0x11f: {  	s1 =	rddreg [dreg:$0x17]  }
0x120: {  	s4 =	rddreg [dreg:$0x16]  }
0x121: {  	s7 =	rddreg [dreg:$0x18]  }
0x122: {  	s15 =	rddreg [dreg:$0x15]  }
0x123: {  	s17 =	rddreg [dreg:$0x13]  }
0x124: {  	s25 =	simm.s32 $0x340;
	[sflag:s16] =	ssyncset.done $0x0;
	s18 =	rddreg [dreg:$0x14]  }
0x125: {  	s14 =	simm.s32 $0x7100;
	s20 =	rddreg [dreg:$0x1a];
	[sflag:s16] =	ssyncadd.s32 $0xFFFF9C00  }
0x126: {  	[tilespmem:s14], [sflag:$0x6] =	stream.indirect.gather.add.f32 [hbm:s5], $0x20, s25, s19, $0xb8;
	[tilespmem:$0x1A340] =	vst v63  }
0x127: {  	s21 =	rddreg [dreg:$0x19]  }
0x128: {  	[tilespmem:s18], [sflag:$0x6] =	stream.indirect.gather.add.f32 [hbm:s5], $0x20, s17, s19, $0xb8;
	[tilespmem:$0x1A340] =	vst v63  }
0x129: {  	s2 =	rddreg [dreg:$0x1c]  }
0x12a: {  	[tilespmem:s4], [sflag:$0x6] =	stream.indirect.gather.add.f32 [hbm:s5], $0x20, s15, s19, $0xb8;
	[tilespmem:$0x1A340] =	vst v63  }
0x12b: {  	s16 =	rddreg [dreg:$0x1e]  }
0x12c: {  	[tilespmem:s7], [sflag:$0x6] =	stream.indirect.gather.add.f32 [hbm:s5], $0x20, s1, s19, $0xb8;
	[tilespmem:$0x1A340] =	vst v63  }
0x12d: {  	s17 =	rddreg [dreg:$0x1b]  }
0x12e: {  	[tilespmem:s20], [sflag:$0x6] =	stream.indirect.gather.add.f32 [hbm:s5], $0x20, s21, s19, $0xb8;
	[tilespmem:$0x1A340] =	vst v63  }
0x12f: {  	s9 =	sadd.s32 $0xC80, s9;
	s20 =	rddreg [dreg:$0x1d]  }
0x130: {  	[tilespmem:s2], [sflag:$0x6] =	stream.indirect.gather.add.f32 [hbm:s5], $0x20, s17, s19, $0xb8;
	[tilespmem:$0x1A340] =	vst v63  }
0x131: {  	s7 =	smov.u32 s9;
	s2 =	sld [smem:$0x7DC]  }
0x132: {  	[tilespmem:s16], [sflag:$0x6] =	stream.indirect.gather.add.f32 [hbm:s5], $0x20, s20, s19, $0xb8;
	[tilespmem:$0x1A340] =	vst v63  }
0x133: {  	s15 =	rddreg [dreg:$0x1f];
	s4 =	simm.s32 $0x5;
	s7 =	simm.s32 @p2 $0x0  }
0x134: {  	[tilespmem:s2], [sflag:$0x6] =	stream.indirect.gather.add.f32 [hbm:s5], $0x20, s15, s19, $0xb8;
	[tilespmem:$0x1A340] =	vst v63  }
0x135: {  	s15 =	sadd.s32 s3, s7;
	_ =	swait.ge [sflag:s4], $0x6400  }
0x136: {  	s1 =	sshll.u32 s15, $0x2;
	[sflag:s4] =	ssyncset.done $0x0  }
0x137: {  	s1 =	sadd.s32 s24, s1;
	[sflag:s4] =	ssyncadd.s32 $0xFFFF9C00;
	s4 =	simm.s32 @!p2 $0xC  }
0x138: {  	[hbm4b:s1+s28] =	stream.linear.scatter [tilespmem:s23], [sflag:$0x9], $0x6400, $0x38;
	[tilespmem:$0x1A340] =	vst v63  }
0x139: {  	_ =	swait.ge @!p2 [sflag:s4], $0x6400  }
0x13a: {  	[sflag:s4] =	ssyncset.done @!p2 $0x0  }
0x13b: {  	s16 =	sadd.s32 $0x138, s10;
	s3 =	simm.s32 $0x9C0;
	[sflag:s4] =	ssyncadd.s32 @!p2 $0xFFFF9C00  }
0x13c: {  	[tilespmem:s3], [sflag:$0xD] =	stream.linear.gather [hbm4b:s16+s28], $0x340, $0x38;
	[tilespmem:$0x1A340] =	vst v63  }
0x13d: {  	_ =	swait.ge [sflag:s12], $0x340  }
0x13e: {  	[sflag:s12] =	ssyncset.done $0x0  }
0x13f: {  	s17 =	simm.s32 $0x3;
	[sflag:s12] =	ssyncadd.s32 $0xFFFFFCC0;
	s12 =	simm.s32 $0x13900  }
0x140: {  	[tilespmem:s12], [sflag:$0x4] =	stream.linear.gather [spmem:s26], $0x6400, $0x38;
	[tilespmem:$0x1A340] =	vst v63  }
0x141: {  	_ =	swait.ge [sflag:s17], $0x6400  }
0x142: {  	s1 =	sld [smem:$0x7E4]  }
0x143: {  	s4 =	sld [smem:$0x7DD]  }
0x144: {  	s10 =	sld [smem:$0x7E0]  }
0x145: {  	s15 =	sld [smem:$0x7ED]  }
0x146: {  	s16 =	sld [smem:$0x7E2]  }
0x147: {  	s18 =	sld [smem:$0x7DE]  }
0x148: {  	[sflag:s17] =	ssyncset.done $0x0;
	s20 =	sld [smem:$0x7E9]  }
0x149: {  	s21 =	sld [smem:$0x7E1];
	[sflag:s17] =	ssyncadd.s32 $0xFFFF9C00  }
0x14a: {  	[tilespmem:s30], [sflag:$0x7] =	stream.indirect.gather.add.f32 [hbm:s5], $0x20, s29, s19, $0xb8;
	[tilespmem:$0x1A340] =	vst v63  }
0x14b: {  	s17 =	sld [smem:$0x7EB]  }
0x14c: {  	[tilespmem:s18], [sflag:$0x7] =	stream.indirect.gather.add.f32 [hbm:s5], $0x20, s4, s19, $0xb8;
	[tilespmem:$0x1A340] =	vst v63  }
0x14d: {  	s18 =	sld [smem:$0x7E6]  }
0x14e: {  	[tilespmem:s21], [sflag:$0x7] =	stream.indirect.gather.add.f32 [hbm:s5], $0x20, s10, s19, $0xb8;
	[tilespmem:$0x1A340] =	vst v63  }
0x14f: {  	s21 =	sld [smem:$0x7E5]  }
0x150: {  	[tilespmem:s1], [sflag:$0x7] =	stream.indirect.gather.add.f32 [hbm:s5], $0x20, s16, s19, $0xb8;
	[tilespmem:$0x1A340] =	vst v63  }
0x151: {  	s16 =	sld [smem:$0x7E8]  }
0x152: {  	[tilespmem:s18], [sflag:$0x7] =	stream.indirect.gather.add.f32 [hbm:s5], $0x20, s21, s19, $0xb8;
	[tilespmem:$0x1A340] =	vst v63  }
0x153: {  	s18 =	sld [smem:$0x7EA]  }
0x154: {  	[tilespmem:s20], [sflag:$0x7] =	stream.indirect.gather.add.f32 [hbm:s5], $0x20, s16, s19, $0xb8;
	[tilespmem:$0x1A340] =	vst v63  }
0x155: {  	s20 =	sld [smem:$0x7EC]  }
0x156: {  	[tilespmem:s17], [sflag:$0x7] =	stream.indirect.gather.add.f32 [hbm:s5], $0x20, s18, s19, $0xb8;
	[tilespmem:$0x1A340] =	vst v63  }
0x157: {  	s30 =	simm.s32 $0x6  }
0x158: {  	[tilespmem:s15], [sflag:$0x7] =	stream.indirect.gather.add.f32 [hbm:s5], $0x20, s20, s19, $0xb8;
	[tilespmem:$0x1A340] =	vst v63  }
0x159: {  	_ =	swait.ge [sflag:s30], $0x6400  }
0x15a: {  	s21 =	rddreg [dreg:$0x4]  }
0x15b: {  	s1 =	sadd.s32 s21, s7  }
0x15c: {  	s1 =	sshll.u32 s1, $0x2  }
0x15d: {  	[sflag:s30] =	ssyncset.done $0x0;
	s1 =	sand.u32 $0x1FFFFE80, s1  }
0x15e: {  	p2 =	sgt.u32 s8, $0x1D;
	[sflag:s30] =	ssyncadd.s32 $0xFFFF9C00;
	s1 =	sadd.s32 s24, s1  }
0x15f: {  	[hbm4b:s1+s28] =	stream.linear.scatter [tilespmem:s14], [sflag:$0xA], $0x6400, $0x38;
	[tilespmem:$0x1A340] =	vst v63  }
0x160: {  	s1 =	simm.s32 @!p2 $0x9  }
0x161: {  	_ =	swait.ge @!p2 [sflag:s1], $0x6400  }
0x162: {  	s4 =	sadd.s32 @!p2 s11, s22;
	s10 =	simm.s32 @!p2 $0xD;
	[sflag:s1] =	ssyncset.done @!p2 $0x0  }
0x163: {  	s7 =	simm.s32 @!p2 $0x0;
	[sflag:s1] =	ssyncadd.s32 @!p2 $0xFFFF9C00;
	s1 =	sadd.s32 @!p2 $0x1A0, s4  }
0x164: {  	[tilespmem:s7], [sflag:$0xD] =	stream.linear.gather @!p2 [hbm4b:s1+s7], $0x340, $0x38;
	[tilespmem:$0x1A340] =	vst v63  }
0x165: {  	_ =	swait.ge @!p2 [sflag:s10], $0x340  }
0x166: {  	[sflag:s10] =	ssyncset.done @!p2 $0x0  }
0x167: {  	s28 =	simm.s32 $0x4;
	s1 =	simm.s32 @!p2 $0xD00;
	[sflag:s10] =	ssyncadd.s32 @!p2 $0xFFFFFCC0  }
0x168: {  	[tilespmem:s1], [sflag:$0x1] =	stream.linear.gather @!p2 [spmem:s26], $0x6400, $0x38;
	[tilespmem:$0x1A340] =	vst v63  }
0x169: {  	s31 =	sadd.s32 $0x1A0, s31;
	_ =	swait.ge [sflag:s28], $0x6400  }
0x16a: {  	p1 =	sne.s32 s31, $0xD00;
	s22 =	sld [smem:$0x7F0]  }
0x16b: {  	s13 =	smov.u32 s0;
	s0 =	sadd.s32 $0x3200, s0;
	s26 =	sld [smem:$0x7EF]  }
0x16c: {  	s6 =	sadd.s32 $0x3200, s6;
	s16 =	sadd.s32 @!p2 $0x208, s4;
	s20 =	sld [smem:$0x7F1]  }
.Ltmp0:
0x16d: {  	[sflag:s28] =	ssyncset.done $0x0;
	s4 =	sld [smem:$0x7FC];
	(pc) =	sbr.rel @p1 .LBB2_2-.Ltmp0, $4  }
0x16e: {  	s2 =	simm.s32 $0xD500;
	s15 =	sld [smem:$0x7FA];
	[sflag:s28] =	ssyncadd.s32 $0xFFFF9C00  }
0x16f: {  	[tilespmem:s12], [sflag:$0x8] =	stream.indirect.gather.add.f32 [hbm:s5], $0x20, s3, s19, $0xb8;
	[tilespmem:$0x1A340] =	vst v63  }
0x170: {  	s8 =	sadd.s32 $0x4, s8;
	s11 =	simm.s32 $0x13900;
	s17 =	sld [smem:$0x7F8]  }
0x171: {  	[tilespmem:s22], [sflag:$0x8] =	stream.indirect.gather.add.f32 [hbm:s5], $0x20, s26, s19, $0xb8;
	[tilespmem:$0x1A340] =	vst v63  }
0x172: {  	s0 =	sld [smem:$0x7F2]  }
0x173: {  	s1 =	sld [smem:$0x7F4]  }
0x174: {  	s6 =	sld [smem:$0x7F3]  }
0x175: {  	s3 =	sld [smem:$0x7F6]  }
0x176: {  	[tilespmem:s0], [sflag:$0x8] =	stream.indirect.gather.add.f32 [hbm:s5], $0x20, s20, s19, $0xb8;
	[tilespmem:$0x1A340] =	vst v63  }
0x177: {  	s8 =	sld [smem:$0x7F5]  }
0x178: {  	[tilespmem:s1], [sflag:$0x8] =	stream.indirect.gather.add.f32 [hbm:s5], $0x20, s6, s19, $0xb8;
	[tilespmem:$0x1A340] =	vst v63  }
0x179: {  	s9 =	sld [smem:$0x7F7]  }
0x17a: {  	[tilespmem:s3], [sflag:$0x8] =	stream.indirect.gather.add.f32 [hbm:s5], $0x20, s8, s19, $0xb8;
	[tilespmem:$0x1A340] =	vst v63  }
0x17b: {  	s12 =	sld [smem:$0x7F9]  }
0x17c: {  	[tilespmem:s17], [sflag:$0x8] =	stream.indirect.gather.add.f32 [hbm:s5], $0x20, s9, s19, $0xb8;
	[tilespmem:$0x1A340] =	vst v63  }
0x17d: {  	s14 =	sld [smem:$0x7FB]  }
0x17e: {  	[tilespmem:s15], [sflag:$0x8] =	stream.indirect.gather.add.f32 [hbm:s5], $0x20, s12, s19, $0xb8;
	[tilespmem:$0x1A340] =	vst v63  }
0x17f: {  	s15 =	simm.s32 $0x7  }
0x180: {  	[tilespmem:s4], [sflag:$0x8] =	stream.indirect.gather.add.f32 [hbm:s5], $0x20, s14, s19, $0xb8;
	[tilespmem:$0x1A340] =	vst v63  }
0x181: {  	_ =	swait.ge [sflag:s15], $0x6400  }
0x182: {  	[sflag:s15] =	ssyncset.done $0x0  }
0x183: {  	s0 =	simm.s32 @!p2 $0xA;
	s3 =	simm.s32 $0x0;
	[sflag:s15] =	ssyncadd.s32 $0xFFFF9C00  }
0x184: {  	[hbm4b:s13+s3] =	stream.linear.scatter [tilespmem:s2], [sflag:$0xB], $0x6400, $0x38;
	[tilespmem:$0x1A340] =	vst v63  }
0x185: {  	_ =	swait.ge @!p2 [sflag:s0], $0x6400  }
0x186: {  	[sflag:s0] =	ssyncset.done @!p2 $0x0  }
0x187: {  	[sflag:s0] =	ssyncadd.s32 @!p2 $0xFFFF9C00;
	s0 =	simm.s32 @!p2 $0x340  }
0x188: {  	[tilespmem:s0], [sflag:$0xD] =	stream.linear.gather @!p2 [hbm4b:s16+s7], $0x340, $0x38;
	[tilespmem:$0x1A340] =	vst v63  }
0x189: {  	_ =	swait.ge @!p2 [sflag:s10], $0x340  }
0x18a: {  	[sflag:s10] =	ssyncset.done @!p2 $0x0  }
0x18b: {  	[sflag:s10] =	ssyncadd.s32 @!p2 $0xFFFFFCC0  }
0x18c: {  	s0 =	simm.s32 @!p2 $0x7100;
	s16 =	simm.s32 $0x8;
	s1 =	rddreg [dreg:$0x2]  }
0x18d: {  	[tilespmem:s0], [sflag:$0x2] =	stream.linear.gather @!p2 [spmem:s1], $0x6400, $0x38;
	[tilespmem:$0x1A340] =	vst v63  }
0x18e: {  	_ =	swait.ge [sflag:s16], $0x6400  }
0x18f: {  	s17 =	sld [smem:$0x7DF]  }
0x190: {  	[sflag:s16] =	ssyncset.done $0x0  }
0x191: {  	s18 =	simm.s32 $0x9;
	[sflag:s16] =	ssyncadd.s32 $0xFFFF9C00  }
0x192: {  	[hbm4b:s17+s3] =	stream.linear.scatter [tilespmem:s11], [sflag:$0xC], $0x6400, $0x38;
	[tilespmem:$0x1A340] =	vst v63  }
0x193: {  	_ =	swait.ge [sflag:s18], $0x6400  }
0x194: {  	[sflag:s18] =	ssyncset.done $0x0  }
0x195: {  	s20 =	simm.s32 $0xA;
	[sflag:s18] =	ssyncadd.s32 $0xFFFF9C00  }
0x196: {  	_ =	swait.ge [sflag:s20], $0x6400  }
0x197: {  	[sflag:s20] =	ssyncset.done $0x0  }
0x198: {  	s21 =	simm.s32 $0xB;
	[sflag:s20] =	ssyncadd.s32 $0xFFFF9C00  }
0x199: {  	_ =	swait.ge [sflag:s21], $0x6400  }
0x19a: {  	[sflag:s21] =	ssyncset.done $0x0  }
0x19b: {  	s22 =	simm.s32 $0xC;
	[sflag:s21] =	ssyncadd.s32 $0xFFFF9C00  }
0x19c: {  	_ =	swait.ge [sflag:s22], $0x6400  }
0x19d: {  	s26 =	sld [smem:$0x7D7]  }
0x19e: {  	s31 =	sld [smem:$0x7E3];
	_ =	sdelay $0x1  }
0x19f: {  	s2 =	sadd.s32 $0x1, s26  }
0x1a0: {  	p1 =	sne.s32 s2, s31  }
.Ltmp1:
0x1a1: {  	_ = 	snop;
	(pc) =	sbr.rel @p1 .LBB2_1-.Ltmp1, $4  }
0x1a2: {  	s12 =	simm.s32 $0xD;
	s15 =	simm.s32 $0x2  }
0x1a3: {  	s16 =	simm.s32 $0x7100;
	s11 =	simm.s32 $0x1;
	s17 =	simm.s32 $0x680  }
0x1a4: {  	s3 =	simm.s32 $0x3;
	s20 =	simm.s32 $0x5;
	[sflag:s22] =	ssyncset.done $0x0  }
0x1a5: {  	s21 =	simm.s32 $0x9C0;
	s14 =	sld [smem:$0x7FD];
	[sflag:s22] =	ssyncadd.s32 $0xFFFF9C00  }
0x1a6: {  	_ =	sfence.sel $0x180000  }
0x1a7: {  	[bflag:$0x0] =	sbarrier.arrive $0xFFFF  }
0x1a8: {  	_ =	strace $0x90000047  }
0x1a9: {  	[bflag:$0x2] =	sbarrier.arrive $0xFFFF  }
0x1aa: {  	s0 =	rddreg [dreg:$0x3]  }
0x1ab: {  	s0 =	sadd.s32 @!p0 $0x100000, s0  }
0x1ac: {  	[sflag:s0] =	ssyncadd.tile.s32 @!p0 $0x1;
	_ =	shalt  }
.Lfunc_end2:
_tile_overlayer_lowered:
.L_overlay_start_2:
0x1ad: {  	(tag) =	ssettag $0x2  }
0x1ae: {  	s0 =	rddreg [dreg:$0x0];
	s2 =	stileid.u32  }
0x1af: {  	s1 =	rddreg [dreg:$0x1];
	p0 =	sne.s32 s2, $0x0  }
0x1b0: {  	s3 =	rddreg [dreg:$0x2];
	[bflag:$0x3] =	sbarrier.arrive $0xFFFF;
	s2 =	simm.s32 @!p0 $0x1C0D  }
0x1b1: {  	[timem:s3], [sflag:s2] =	dma.local @!p0 [hbm:s0], s1  }
0x1b2: {  	s0 =	simm.s32 @!p0 $0xD  }
0x1b3: {  	_ =	swait.ge @!p0 [sflag:s0], s1  }
0x1b4: {  	s1 =	ssub.s32 @!p0 $0x0, s1;
	[sflag:s0] =	ssyncset.done @!p0 $0x0  }
0x1b5: {  	[sflag:s0] =	ssyncadd.s32 @!p0 s1  }
0x1b6: {  	[bflag:$0x3] =	sbarrier.arrive $0xFFFF  }
0x1b7: {  	_ =	shalt  }

// kernel: sparse-core-data-format-call.cloned.1.call-start
scs
called_computation_lowered:
.L_overlay_start_0:
0x0: {  	s2 =	sld [smem:$0x3FD9]  }
0x1: {  	s3 =	sld [smem:$0x3FFE];
	_ =	sdelay $0x1  }
0x2: {  	s1 =	srdreg.scid  }
0x3: {  	s0 =	sand.u32 $0x1, s1  }
0x4: {  	s18 =	sshll.u32 s0, $0xA;
	s2 =	sadd.s32 s3, s2  }
0x5: {  	s2 =	sadd.s32 s2, s18  }
0x6: {  	[smem:$0x3FC5] =	sst s2  }
0x7: {  	_ = 	snop  }
0x8: {  	s2 =	sld [smem:$0x3FD0];
	(tm) =	ssettm $0x1  }
0x9: {  	s19 =	sld [smem:$0x3FFB];
	_ =	sdelay $0x3  }
0xa: {  	_ =	strace s19  }
0xb: {  	s3 =	sld [smem:$0x3FFC];
	_ =	sdelay $0x3  }
0xc: {  	_ =	strace s3  }
0xd: {  	s3 =	sld [smem:$0x3FFD];
	_ =	sdelay $0x3  }
0xe: {  	_ =	strace s3  }
0xf: {  	_ =	strace $0x8FFFFFFF  }
0x10: {  	s20 =	sld [smem:$0x3FDB];
	_ =	sdelay $0x1  }
0x11: {  	s4 =	simm.s32 $_scs_section_size  }
0x12: {  	s5 =	simm.s32 $_size__tile_overlayer_lowered;
	s6 =	simm.s32 $_tile_overlayer_lowered  }
0x13: {  	s23 =	simm.s32 $0x1BFF;
	s22 =	sshll.u32 s6, $0x1;
	s3 =	sadd.s32 s4, s20  }
0x14: {  	s7 =	simm.s32 $0x0;
	s21 =	sshll.u32 s5, $0x1;
	s5 =	sadd.s32 s22, s3  }
0x15: {  	[timem:s7], [sflag:s23] =	dma.local [hbm:s5], s21  }
0x16: {  	_ =	swait.ge [sflag:s23], s21  }
0x17: {  	s4 =	ssub.s32 $0x0, s21;
	[sflag:s23] =	ssyncset.done $0x0  }
0x18: {  	[sflag:s23] =	ssyncadd.s32 s4;
	_ =	sdelay $0x1  }
0x19: {  	s24 =	simm.s32 $0x1B8B  }
0x1a: {  	_ =	swait.ge [sflag:s24], $0x1  }
0x1b: {  	[sflag:s24] =	ssyncset.done $0x0  }
0x1c: {  	s26 =	simm.s32 $0x1B8E;
	s25 =	sld [smem:$0x3FFE];
	[sflag:s24] =	ssyncadd.s32 $0xFFFFFFFF  }
0x1d: {  	s27 =	simm.s32 $execute0_lowered;
	[smem:$0x3FD2] =	sst s26  }
0x1e: {  	s5 =	sshll.u32 s27, $0x1;
	_ =	strace $0x80000049;
	[dreg:$0x1] =	wrdreg $0xFFFFFFFF  }
0x1f: {  	s28 =	simm.s32 $_size_execute0_lowered;
	s3 =	sadd.s32 s3, s5;
	[dreg:$0x0] =	wrdreg $0x0  }
0x20: {  	s5 =	sshll.u32 s28, $0x1;
	[dreg:$0x2] =	wrdreg s3  }
0x21: {  	[dreg:$0x3] =	wrdreg s5  }
0x22: {  	[dreg:$0x4] =	wrdreg $0xC0  }
0x23: {  	_ =	task [dreg:s7], $0x5FFFF  }
0x24: {  	[dreg:$0x1] =	wrdreg $0xFFFFFFFF  }
0x25: {  	[dreg:$0x0] =	wrdreg $0x60  }
0x26: {  	[dreg:$0x2] =	wrdreg s25  }
0x27: {  	[dreg:$0x3] =	wrdreg s2  }
0x28: {  	[dreg:$0x4] =	wrdreg $0x9  }
0x29: {  	_ =	task.clear_ibuf [dreg:s7], $0x5FFFF;
	_ =	strace $0x90000049  }
0x2a: {  	s29 =	simm.s32 $0x9;
	_ =	strace $0x8000004B  }
0x2b: {  	_ =	swait.ge [sflag:s29], $0x1  }
0x2c: {  	[sflag:s29] =	ssyncadd.s32 $0xFFFFFFFF  }
0x2d: {  	_ =	strace $0x9000004B  }
0x2e: {  	_ =	sfence  }
0x2f: {  	s30 =	sld [smem:$0x0];
	_ =	sdelay $0x2  }
0x30: {  	s31 =	sshll.u32 s1, $0xD;
	s1 =	sshrl.u32 s1, $0x2  }
0x31: {  	s3 =	sand.u32 $0x4000, s31;
	s1 =	sadd.s32 s1, s30  }
0x32: {  	s0 =	sor.u32 s3, s0;
	s1 =	sshll.u32 s1, $0x11  }
0x33: {  	s0 =	sor.u32 s1, s0  }
0x34: {  	s0 =	sadd.s32 $0x8F2B, s0  }
0x35: {  	[sflag:s0] =	ssyncadd.remote.s32 $0x1  }
0x36: {  	_ =	sfence.sel $0xFFFF  }
0x37: {  	[dreg:$0x0] =	wrdreg $0xFFFFFFFF;
	(pc) =	sbr.abs _section_cstart, $3  }
0x38: {  	[dreg:$0x1] =	wrdreg $0xFFFFFFFF  }
0x39: {  	_ =	task.clear_ibuf [dreg:s7], $0x2FFFF;
	_ =	strace $0x9FFFFFFF  }
0x3a: {  	(tm) =	ssettm $0x7FFFFFFF  }
0x3b: {  	_ =	shalt  }
tec
execute0_lowered:
.L_overlay_start_1:
0x0: {  	(tag) =	ssettag $0x1  }
0x1: {  	s0 =	srdreg.scid  }
0x2: {  	s1 =	sshll.u32 s0, $0x4  }
0x3: {  	s0 =	stileid.u32;
	s1 =	sand.u32 $0x10, s1  }
0x4: {  	s1 =	sor.u32 s0, s1  }
0x5: {  	s6 =	rddreg [dreg:$0x0];
	s4 =	simm.s32 $0x1;
	s2 =	sshll.u32 s1, $0x7  }
0x6: {  	s7 =	simm.s32 $0x2;
	s12 =	simm.s32 $0x0;
	s1 =	ssub.s32 $0x1000, s2  }
0x7: {  	s8 =	simm.s32 $0x8000;
	s13 =	simm.s32 $0x0;
	s3 =	sand.u32 $0xF80, s1  }
0x8: {  	s9 =	simm.s32 $0x0;
	s5 =	sshrl.u32 s1, $0xC;
	p0 =	sne.s32 s3, $0x0  }
.Ltmp0:
0x9: {  	s1 =	rddreg [dreg:$0x2];
	s4 =	simm.s32 @!p0 $0x0;
	(pc) =	sbr.rel .LBB1_1-.Ltmp0, $4  }
0xa: {  	s11 =	simm.s32 $0x0;
	s3 =	rddreg [dreg:$0x1];
	s5 =	sadd.s32 s4, s5  }
0xb: {  	_ =	strace $0x8000004A;
	s4 =	simm.s32 $0x1;
	s5 =	smul.u32 $0xC8, s5  }
0xc: {  	s6 =	sadd.s32 $0xC00, s6;
	s10 =	smov.u32 s2;
	[sflag:s4] =	ssyncpa.u1 $0x0  }
0xd: {  	p0 =	por $0x0, $0x0;
	[sflag:s7] =	ssyncpa.u1 $0x0;
	s7 =	sor.u32 $0x1, s5  }
.LBB1_4:
0xe: {  	s16 =	sshll.u32 s13, $0x3;
	s17 =	sand.u32 $0x78, s13  }
0xf: {  	s30 =	sand.u32 $0x3E00, s13;
	s12 =	sshll.u32 s12, $0xE;
	s16 =	sand.u32 $0xC00, s16  }
0x10: {  	s31 =	sand.u32 $0x7, s13;
	s16 =	sor.u32 s17, s16;
	s17 =	sadd.s32 s3, s30  }
0x11: {  	s13 =	sshll.u32 s31, $0x12;
	s16 =	sshrl.u32 s16, $0x3;
	s12 =	sadd.s32 s12, s17  }
0x12: {  	[tilespmem:s15+$0x0 ss:$0x81] =	vst.msk $0xffff, v0;
	s13 =	sor.u32 $0x400, s13;
	s12 =	sadd.s32 s16, s12  }
0x13: {  	[hbm4b:s12+s13] =	stream.strided.scatter [tilespmem:s14], [sflag:$0x2], $0x1000, s8, s13, $0x20;
	[tilespmem:$0x4040] =	vst v63  }
.LBB1_5:
0x14: {  	s14 =	sadd.s32 $0x1, s9  }
0x15: {  	s12 =	sadd.s32 $0x1000, s10;
	s16 =	smov.u32 s10;
	p2 =	sgt.s32 s14, $0xC7  }
0x16: {  	s16 =	smov.u32 @p2 s12  }
0x17: {  	s14 =	simm.s32 @p2 $0x0;
	p2 =	sgt.s32 s16, $0xFFF  }
0x18: {  	s16 =	smov.u32 @p2 s2;
	p2 =	sne.s32 s11, s7  }
.Ltmp1:
0x19: {  	p1 =	slt.u32 s11, $0x2;
	(pc) =	sbr.rel @!p2 .LBB1_6-.Ltmp1, $4  }
0x1a: {  	s15 =	simm.s32 @!p1 $0x2  }
0x1b: {  	s13 =	smov.u32 s10;
	p0 =	por !p0, !p0;
	_ =	swait.ge @!p1 [sflag:s15], $0x1000  }
0x1c: {  	s12 =	smov.u32 s9;
	[sflag:s15] =	ssyncset.done @!p1 $0x0;
	s9 =	smov.u32 s14  }
0x1d: {  	s11 =	sadd.s32 $0x1, s11;
	[sflag:s15] =	ssyncadd.s32 @!p1 $0xFFFFF000;
	s10 =	smov.u32 s16  }
.LBB1_1:
0x1e: {  	p1 =	sge.u32 s11, s5  }
0x1f: {  	s14 =	sand.u32 @!p1 $0x1FFFFFF, s9  }
0x20: {  	s15 =	smulhi.u32 @!p1 $0x147AE15, s14;
	_ =	sdelay $0x1  }
0x21: {  	s15 =	smul.u32 @!p1 $0xC8, s15  }
0x22: {  	s16 =	sxor.u32 @!p1 $0xFFFFFFFF, s11;
	s17 =	smul.u32 @!p1 $0xC80, s10  }
0x23: {  	s31 =	sadd.s32 $0xFFFFFFFF, s11;
	s16 =	sshll.u32 @!p1 s16, $0xC;
	s14 =	ssub.s32 @!p1 s14, s15  }
0x24: {  	s15 =	sand.u32 @!p1 $0x1000, s16;
	s16 =	sadd.s32 @!p1 s6, s17;
	s14 =	sshll.u32 @!p1 s14, $0x4  }
0x25: {  	s17 =	simm.s32 @!p1 $0x6400;
	s14 =	sadd.s32 @!p1 s14, s16;
	s16 =	simm.s32 @!p1 $0x20  }
0x26: {  	[tilespmem:s15], [sflag:$0x1] =	stream.strided.gather @!p1 [hbm4b:s14+s16], $0x1000, s17, s16, $0x38;
	[tilespmem:$0x4040] =	vst v63  }
0x27: {  	p1 =	sge.u32 s31, s5  }
.Ltmp2:
0x28: {  	_ = 	snop;
	(pc) =	sbr.rel @p1 .LBB1_5-.Ltmp2, $1  }
0x29: {  	_ =	sdelay $0x3  }
0x2a: {  	s14 =	simm.s32 $0x1  }
0x2b: {  	_ =	swait.ge [sflag:s4], $0x1000;
	s14 =	simm.s32 @!p0 $0x0  }
0x2c: {  	[sflag:s4] =	ssyncset.done $0x0;
	s15 =	sshll.u32 s14, $0xC  }
0x2d: {  	[sflag:s4] =	ssyncadd.s32 $0xFFFFF000;
	s18 =	sor.u32 $0x10, s15  }
0x2e: {  	s14 =	smul.u32 $0x4080, s14;
	v1 =	vld [tilespmem:s18+$0x0]  }
0x2f: {  	s30 =	sand.u32 $0x1, s11;
	v0 =	vld [tilespmem:s18+$0xFFFFFFF0]  }
0x30: {  	s15 =	smul.u32 $0x4080, s30;
	s14 =	sshrl.u32 s14, $0x2  }
0x31: {  	s16 =	sor.u32 $0x2000, s14  }
0x32: {  	s31 =	sshrl.u32 s15, $0x2;
	s15 =	sadd.s32 $0x0, s16  }
0x33: {  	s17 =	simm.s32 $0x4;
	s18 =	sadd.s32 $0x20, s18;
	s14 =	sor.u32 $0x2000, s31;
	[tilespmem:s15+$0x810 ss:$0x81] =	vst.msk $0xffff, v1  }
.LBB1_3:
0x34: {  	v1 =	vld [tilespmem:s18+$0x0];
	p1 =	sne.s32 s17, $0x1FC;
	[tilespmem:s15+$0x0 ss:$0x81] =	vst.msk $0xffff, v0;
	s15 =	smov.u32 s17;
	s17 =	sadd.s32 $0x4, s17  }
.Ltmp3:
0x35: {  	v0 =	vld [tilespmem:s18+$0xFFFFFFF0];
	(pc) =	sbr.rel @p1 .LBB1_3-.Ltmp3, $4  }
0x36: {  	_ = 	snop  }
0x37: {  	s15 =	sshra.s32 s15, $0x2  }
0x38: {  	s15 =	sadd.s32 s15, s16  }
0x39: {  	s18 =	sadd.s32 $0x20, s18;
	[tilespmem:s15+$0x810 ss:$0x81] =	vst.msk $0xffff, v1  }
.Ltmp4:
0x3a: {  	_ = 	snop;
	(pc) =	sbr.rel .LBB1_4-.Ltmp4, $1  }
0x3b: {  	_ =	sdelay $0x3  }
.LBB1_6:
0x3c: {  	_ =	sfence.sel $0x180000  }
0x3d: {  	s2 =	simm.s32 $0x1;
	[bflag:$0x0] =	sbarrier.arrive $0xFFFF  }
0x3e: {  	s31 =	simm.s32 $0x2;
	[sflag:s2] =	ssyncpa.u1 $0x1  }
0x3f: {  	[sflag:s31] =	ssyncpa.u1 $0x1  }
0x40: {  	p0 =	sne.s32 s0, $0x0;
	_ =	strace $0x9000004A  }
0x41: {  	s0 =	sadd.s32 @!p0 $0x100000, s1;
	[bflag:$0x2] =	sbarrier.arrive $0xFFFF  }
0x42: {  	[sflag:s0] =	ssyncadd.tile.s32 @!p0 $0x1;
	_ =	shalt  }
.Lfunc_end1:
_tile_overlayer_lowered:
.L_overlay_start_2:
0x43: {  	(tag) =	ssettag $0x2  }
0x44: {  	s0 =	rddreg [dreg:$0x0];
	s2 =	stileid.u32  }
0x45: {  	s1 =	rddreg [dreg:$0x1];
	p0 =	sne.s32 s2, $0x0  }
0x46: {  	s3 =	rddreg [dreg:$0x2];
	[bflag:$0x3] =	sbarrier.arrive $0xFFFF;
	s2 =	simm.s32 @!p0 $0x1C01  }
0x47: {  	[timem:s3], [sflag:s2] =	dma.local @!p0 [hbm:s0], s1  }
0x48: {  	s0 =	simm.s32 @!p0 $0x1  }
0x49: {  	_ =	swait.ge @!p0 [sflag:s0], s1  }
0x4a: {  	s1 =	ssub.s32 @!p0 $0x0, s1;
	[sflag:s0] =	ssyncset.done @!p0 $0x0  }
0x4b: {  	[sflag:s0] =	ssyncadd.s32 @!p0 s1  }
0x4c: {  	[bflag:$0x3] =	sbarrier.arrive $0xFFFF  }
0x4d: {  	_ =	shalt  }

</sc_bundles>
